<compile_context>
chip_gen: v7x
topology: tpu7x:2x2x1
jax: 0.10.2.dev20260603
libtpu: 0.0.44.dev20260713+nightly
codegen_flags: <defaults>
</compile_context>

<pallas_src>
import functools

import jax
import jax.numpy as jnp
from jax import lax
from jax.experimental import pallas as pl
from jax.experimental.pallas import tpu as pltpu
from jax.experimental.pallas import tpu_sc as plsc

VOCAB = 1000
VOCAB_PAD = 1024
TAIL_START = 896
TAIL = VOCAB - TAIL_START
N_TOKENS = 1024 * 200
NUM_CORES = 2
NUM_SUBCORES = 16
NUM_WORKERS = NUM_CORES * NUM_SUBCORES
B_PER_W = N_TOKENS // NUM_WORKERS
CHUNK = 40
N_CHUNKS = B_PER_W // CHUNK
NBUF = 2


@functools.partial(
    pl.kernel,
    out_type=jax.ShapeDtypeStruct((N_TOKENS, VOCAB), jnp.float32),
    mesh=plsc.VectorSubcoreMesh(core_axis_name="c", subcore_axis_name="s"),
    scratch_types=[
        pltpu.VMEM((B_PER_W,), jnp.int32),
        [pltpu.VMEM((CHUNK, VOCAB_PAD), jnp.float32) for _ in range(NBUF)],
        [pltpu.VMEM((CHUNK, TAIL), jnp.float32) for _ in range(NBUF)],
        [pltpu.SemaphoreType.DMA for _ in range(NBUF)],
        [pltpu.SemaphoreType.DMA for _ in range(NBUF)],
        [pltpu.SemaphoreType.DMA for _ in range(NBUF)],
    ],
)
def _gather_kernel(idx_hbm, table_hbm, out_hbm, idx_v, rows_v, tail_v,
                   sem_g, sem_b, sem_t):
    wid = lax.axis_index("s") * NUM_CORES + lax.axis_index("c")
    base = wid * B_PER_W

    pltpu.sync_copy(idx_hbm.at[pl.ds(base, B_PER_W)], idx_v)

    def start_gather(i, b):
        pltpu.async_copy(
            table_hbm.at[idx_v.at[pl.ds(i * CHUNK, CHUNK)]], rows_v[b],
            sem_g[b])

    def finish_chunk(i, b):
        pltpu.make_async_copy(
            table_hbm.at[idx_v.at[pl.ds(i * CHUNK, CHUNK)]], rows_v[b],
            sem_g[b]).wait()
        off = base + i * CHUNK
        pltpu.async_copy(
            rows_v[b].at[:, pl.ds(0, TAIL_START)],
            out_hbm.at[pl.ds(off, CHUNK), pl.ds(0, TAIL_START)], sem_b[b])

        def repack_row(r, c):
            for t in range(6):
                tail_v[b][r, pl.ds(16 * t, 16)] = (
                    rows_v[b][r, pl.ds(TAIL_START + 16 * t, 16)])
            tail_v[b][r, pl.ds(TAIL - 16, 16)] = (
                rows_v[b][r, pl.ds(VOCAB - 16, 16)])
            return c

        lax.fori_loop(0, CHUNK, repack_row, 0)
        pltpu.async_copy(
            tail_v[b],
            out_hbm.at[pl.ds(off, CHUNK), pl.ds(TAIL_START, TAIL)], sem_t[b])

    def wait_out(i, b):
        off = base + i * CHUNK
        pltpu.make_async_copy(
            rows_v[b].at[:, pl.ds(0, TAIL_START)],
            out_hbm.at[pl.ds(off, CHUNK), pl.ds(0, TAIL_START)],
            sem_b[b]).wait()
        pltpu.make_async_copy(
            tail_v[b],
            out_hbm.at[pl.ds(off, CHUNK), pl.ds(TAIL_START, TAIL)],
            sem_t[b]).wait()

    start_gather(0, 0)

    def body(g, c):
        for b in range(NBUF):
            i = g * NBUF + b

            @pl.when(i + 1 < N_CHUNKS)
            def _(i=i, nb=(b + 1) % NBUF):
                @pl.when(i >= 1)
                def _():
                    wait_out(i - 1, nb)
                start_gather(i + 1, nb)

            finish_chunk(i, b)
        return c

    lax.fori_loop(0, N_CHUNKS // NBUF, body, 0)
    wait_out(N_CHUNKS - 2, (N_CHUNKS - 2) % NBUF)
    wait_out(N_CHUNKS - 1, (N_CHUNKS - 1) % NBUF)


def kernel(inputs, embedding):
    idx = inputs.reshape(-1).astype(jnp.int32)
    table = jnp.pad(embedding, ((0, 0), (0, VOCAB_PAD - VOCAB)))
    out = _gather_kernel(idx, table)
    return out.reshape(inputs.shape[0], inputs.shape[1], VOCAB)

# --- scband reference (transcript-rebuilt; emitter-appended) ---
"""Pipeline reference for scband-bigram-model-52441550684645 (READ-ONLY COPY).

The authoritative reference and input builder live on the scoring server;
editing this copy changes nothing except your own understanding.
"""

import jax, jax.numpy as jnp
import numpy as np

VOCAB_SIZE = 1000
BATCH = 1024
SEQ = 200

def setup_inputs(seed: int = 0) -> dict:
    key = jax.random.key(seed)
    k_idx, k_emb = jax.random.split(key)
    inputs = jax.random.randint(k_idx, (BATCH, SEQ), 0, VOCAB_SIZE, dtype=jnp.int64)
    # Embedding table [vocab_size, vocab_size] as in BigramModel (keras Embedding default uniform init)
    embedding = jax.random.uniform(k_emb, (VOCAB_SIZE, VOCAB_SIZE), dtype=jnp.float32, minval=-0.05, maxval=0.05)
    return {"inputs": inputs, "embedding": embedding}

def reference(inputs, embedding):
    # logits = self.embedding(inputs)  -> gather rows of table
    logits = jnp.take(embedding, inputs, axis=0)
    return logits

if __name__ == "__main__":
    import jax
    _d = setup_inputs()
    print(jax.jit(kernel)(*tuple(_d.values())))

</pallas_src>

<mosaic_0001>
#map = affine_map<(d0, d1) -> (0)>
#map1 = affine_map<(d0, d1) -> (0, 0)>
module attributes {stable_mosaic.version = 14 : i64} {
  func.func @_gather_kernel(%arg0: i32, %arg1: i32, %arg2: memref<204800xi32, #tpu.memory_space<hbm>>, %arg3: memref<1000x1024xf32, #tpu.memory_space<hbm>>, %arg4: memref<204800x1000xf32, #tpu.memory_space<hbm>>, %arg5: memref<6400xi32, #tpu.memory_space<vmem>>, %arg6: memref<40x1024xf32, #tpu.memory_space<vmem>>, %arg7: memref<40x1024xf32, #tpu.memory_space<vmem>>, %arg8: memref<40x104xf32, #tpu.memory_space<vmem>>, %arg9: memref<40x104xf32, #tpu.memory_space<vmem>>, %arg10: memref<!tpu.dma_semaphore, #tpu.memory_space<semaphore_mem>>, %arg11: memref<!tpu.dma_semaphore, #tpu.memory_space<semaphore_mem>>, %arg12: memref<!tpu.dma_semaphore, #tpu.memory_space<semaphore_mem>>, %arg13: memref<!tpu.dma_semaphore, #tpu.memory_space<semaphore_mem>>, %arg14: memref<!tpu.dma_semaphore, #tpu.memory_space<semaphore_mem>>, %arg15: memref<!tpu.dma_semaphore, #tpu.memory_space<semaphore_mem>>) attributes {dimension_semantics = [#tpu.dimension_semantics<core_parallel>, #tpu.dimension_semantics<subcore_parallel>], iteration_bounds = array<i64: 2, 16>, scalar_prefetch = 0 : i64, scratch_operands = 11 : i64, tpu.core_type = #tpu.core_type<sc_vector_subcore>, window_params = [{transform_indices = #map}, {transform_indices = #map1}, {transform_indices = #map1}]} {
    %mul3A = arith.constant 2 : i32
    %mul3A_0 = arith.muli %arg1, %mul3A : i32
    %add3A = arith.addi %mul3A_0, %arg0 : i32
    %mul3A_1 = arith.constant 6400 : i32
    %mul3A_2 = arith.muli %add3A, %mul3A_1 : i32
    "tpu.region"() ({
      %run_scoped3A = tpu.sem_alloc : memref<!tpu.dma_semaphore, #tpu.memory_space<semaphore_mem>>
      %dma_start3A_43 = tpu.memref_slice %arg2[%mul3A_2] : memref<204800xi32, #tpu.memory_space<hbm>> -> memref<6400xi32, #tpu.memory_space<hbm>>
      %dma_start3A_44 = tpu.memref_slice %arg2[%mul3A_2] : memref<204800xi32, #tpu.memory_space<hbm>> -> memref<6400xi32, #tpu.memory_space<hbm>>
      tpu.enqueue_dma source(%dma_start3A_44 : memref<6400xi32, #tpu.memory_space<hbm>>) target(%arg5 : memref<6400xi32, #tpu.memory_space<vmem>>) target_semaphore(%run_scoped3A : memref<!tpu.dma_semaphore, #tpu.memory_space<semaphore_mem>>)
      %dma_wait3A_45 = tpu.memref_slice %arg2[%mul3A_2] : memref<204800xi32, #tpu.memory_space<hbm>> -> memref<6400xi32, #tpu.memory_space<hbm>>
      %dma_wait3A_46 = tpu.memref_slice %arg2[%mul3A_2] : memref<204800xi32, #tpu.memory_space<hbm>> -> memref<6400xi32, #tpu.memory_space<hbm>>
      tpu.wait_dma2 semaphore(%run_scoped3A : memref<!tpu.dma_semaphore, #tpu.memory_space<semaphore_mem>>) src(%dma_wait3A_46 : memref<6400xi32, #tpu.memory_space<hbm>>) dst(%arg5 : memref<6400xi32, #tpu.memory_space<vmem>>)
      tpu.yield
    }) : () -> ()
    %dma_start3A = arith.constant 0 : i32
    %dma_start3A_3 = tpu.memref_slice %arg5[%dma_start3A] : memref<6400xi32, #tpu.memory_space<vmem>> -> memref<40xi32, #tpu.memory_space<vmem>>
    %dma_start3A_4 = arith.constant 0 : i32
    %dma_start3A_5 = arith.constant 0 : i32
    %dma_start3A_6 = tpu.memref_slice %arg3[%dma_start3A_4, %dma_start3A_5] : memref<1000x1024xf32, #tpu.memory_space<hbm>> -> memref<1000x1024xf32, #tpu.memory_space<hbm>>
    tpu.enqueue_indirect_dma source(%dma_start3A_6 : memref<1000x1024xf32, #tpu.memory_space<hbm>>) target(%arg6 : memref<40x1024xf32, #tpu.memory_space<vmem>>) offsets(%dma_start3A_3 : memref<40xi32, #tpu.memory_space<vmem>>) semaphore(%arg10 : memref<!tpu.dma_semaphore, #tpu.memory_space<semaphore_mem>>)
    %scan3A = arith.constant 0 : i32
    %scan3A_7 = arith.constant 0 : i32
    %scan3A_8 = arith.constant 80 : i32
    %scan3A_9 = arith.addi %scan3A_7, %scan3A_8 : i32
    %scan3A_10 = arith.constant 1 : i32
    scf.for %scan3A_43 = %scan3A_7 to %scan3A_9 step %scan3A_10  : i32 {
      %mul3A_44 = arith.constant 2 : i32
      %mul3A_45 = arith.muli %scan3A_43, %mul3A_44 : i32
      %add3A_46 = arith.constant 0 : i32
      %add3A_47 = arith.addi %mul3A_45, %add3A_46 : i32
      %add3A_48 = arith.constant 1 : i32
      %add3A_49 = arith.addi %add3A_47, %add3A_48 : i32
      %lt3A = arith.constant 160 : i32
      %lt3A_50 = arith.cmpi slt, %add3A_49, %lt3A : i32
      %convert_element_type3A = arith.extui %lt3A_50 : i1 to i32
      %cond3A = arith.constant 0 : i32
      %cond3A_51 = arith.cmpi ne, %convert_element_type3A, %cond3A : i32
      scf.if %cond3A_51 {
        %ge3A = arith.constant 1 : i32
        %ge3A_121 = arith.cmpi sge, %add3A_47, %ge3A : i32
        %convert_element_type3A_122 = arith.extui %ge3A_121 : i1 to i32
        %cond3A_123 = arith.constant 0 : i32
        %cond3A_124 = arith.cmpi ne, %convert_element_type3A_122, %cond3A_123 : i32
        scf.if %cond3A_124 {
          %sub3A = arith.constant 1 : i32
          %sub3A_133 = arith.subi %add3A_47, %sub3A : i32
          %mul3A_134 = arith.constant 40 : i32
          %mul3A_135 = arith.muli %sub3A_133, %mul3A_134 : i32
          %add3A_136 = arith.addi %mul3A_2, %mul3A_135 : i32
          %dma_wait3A_137 = arith.constant 0 : i32
          %dma_wait3A_138 = arith.constant 0 : i32
          %dma_wait3A_139 = tpu.memref_slice %arg7[%dma_wait3A_137, %dma_wait3A_138] : memref<40x1024xf32, #tpu.memory_space<vmem>> -> memref<40x896xf32, #tpu.memory_space<vmem>>
          %dma_wait3A_140 = arith.constant 0 : i32
          %dma_wait3A_141 = tpu.memref_slice %arg4[%add3A_136, %dma_wait3A_140] : memref<204800x1000xf32, #tpu.memory_space<hbm>> -> memref<40x896xf32, #tpu.memory_space<hbm>>
          %dma_wait3A_142 = arith.constant 0 : i32
          %dma_wait3A_143 = tpu.memref_slice %arg4[%add3A_136, %dma_wait3A_142] : memref<204800x1000xf32, #tpu.memory_space<hbm>> -> memref<40x896xf32, #tpu.memory_space<hbm>>
          %dma_wait3A_144 = arith.constant 0 : i32
          %dma_wait3A_145 = arith.constant 0 : i32
          %dma_wait3A_146 = tpu.memref_slice %arg7[%dma_wait3A_144, %dma_wait3A_145] : memref<40x1024xf32, #tpu.memory_space<vmem>> -> memref<40x896xf32, #tpu.memory_space<vmem>>
          tpu.wait_dma2 semaphore(%arg13 : memref<!tpu.dma_semaphore, #tpu.memory_space<semaphore_mem>>) src(%dma_wait3A_146 : memref<40x896xf32, #tpu.memory_space<vmem>>) dst(%dma_wait3A_143 : memref<40x896xf32, #tpu.memory_space<hbm>>)
          %dma_wait3A_147 = arith.constant 896 : i32
          %dma_wait3A_148 = tpu.memref_slice %arg4[%add3A_136, %dma_wait3A_147] : memref<204800x1000xf32, #tpu.memory_space<hbm>> -> memref<40x104xf32, #tpu.memory_space<hbm>>
          %dma_wait3A_149 = arith.constant 896 : i32
          %dma_wait3A_150 = tpu.memref_slice %arg4[%add3A_136, %dma_wait3A_149] : memref<204800x1000xf32, #tpu.memory_space<hbm>> -> memref<40x104xf32, #tpu.memory_space<hbm>>
          tpu.wait_dma2 semaphore(%arg15 : memref<!tpu.dma_semaphore, #tpu.memory_space<semaphore_mem>>) src(%arg9 : memref<40x104xf32, #tpu.memory_space<vmem>>) dst(%dma_wait3A_150 : memref<40x104xf32, #tpu.memory_space<hbm>>)
        } else {
        }
        %add3A_125 = arith.constant 1 : i32
        %add3A_126 = arith.addi %add3A_47, %add3A_125 : i32
        %mul3A_127 = arith.constant 40 : i32
        %mul3A_128 = arith.muli %add3A_126, %mul3A_127 : i32
        %dma_start3A_129 = tpu.memref_slice %arg5[%mul3A_128] : memref<6400xi32, #tpu.memory_space<vmem>> -> memref<40xi32, #tpu.memory_space<vmem>>
        %dma_start3A_130 = arith.constant 0 : i32
        %dma_start3A_131 = arith.constant 0 : i32
        %dma_start3A_132 = tpu.memref_slice %arg3[%dma_start3A_130, %dma_start3A_131] : memref<1000x1024xf32, #tpu.memory_space<hbm>> -> memref<1000x1024xf32, #tpu.memory_space<hbm>>
        tpu.enqueue_indirect_dma source(%dma_start3A_132 : memref<1000x1024xf32, #tpu.memory_space<hbm>>) target(%arg7 : memref<40x1024xf32, #tpu.memory_space<vmem>>) offsets(%dma_start3A_129 : memref<40xi32, #tpu.memory_space<vmem>>) semaphore(%arg11 : memref<!tpu.dma_semaphore, #tpu.memory_space<semaphore_mem>>)
      } else {
      }
      %mul3A_52 = arith.constant 40 : i32
      %mul3A_53 = arith.muli %add3A_47, %mul3A_52 : i32
      %dma_wait3A_54 = tpu.memref_slice %arg5[%mul3A_53] : memref<6400xi32, #tpu.memory_space<vmem>> -> memref<40xi32, #tpu.memory_space<vmem>>
      %dma_wait3A_55 = arith.constant 0 : i32
      %dma_wait3A_56 = arith.constant 0 : i32
      %dma_wait3A_57 = tpu.memref_slice %arg3[%dma_wait3A_55, %dma_wait3A_56] : memref<1000x1024xf32, #tpu.memory_space<hbm>> -> memref<1000x1024xf32, #tpu.memory_space<hbm>>
      tpu.wait_indirect_dma semaphore(%arg10 : memref<!tpu.dma_semaphore, #tpu.memory_space<semaphore_mem>>) src(%dma_wait3A_57 : memref<1000x1024xf32, #tpu.memory_space<hbm>>) dst(%arg6 : memref<40x1024xf32, #tpu.memory_space<vmem>>)
      %mul3A_58 = arith.constant 40 : i32
      %mul3A_59 = arith.muli %add3A_47, %mul3A_58 : i32
      %add3A_60 = arith.addi %mul3A_2, %mul3A_59 : i32
      %dma_start3A_61 = arith.constant 0 : i32
      %dma_start3A_62 = arith.constant 0 : i32
      %dma_start3A_63 = tpu.memref_slice %arg6[%dma_start3A_61, %dma_start3A_62] : memref<40x1024xf32, #tpu.memory_space<vmem>> -> memref<40x896xf32, #tpu.memory_space<vmem>>
      %dma_start3A_64 = arith.constant 0 : i32
      %dma_start3A_65 = tpu.memref_slice %arg4[%add3A_60, %dma_start3A_64] : memref<204800x1000xf32, #tpu.memory_space<hbm>> -> memref<40x896xf32, #tpu.memory_space<hbm>>
      %dma_start3A_66 = arith.constant 0 : i32
      %dma_start3A_67 = tpu.memref_slice %arg4[%add3A_60, %dma_start3A_66] : memref<204800x1000xf32, #tpu.memory_space<hbm>> -> memref<40x896xf32, #tpu.memory_space<hbm>>
      %dma_start3A_68 = arith.constant 0 : i32
      %dma_start3A_69 = arith.constant 0 : i32
      %dma_start3A_70 = tpu.memref_slice %arg6[%dma_start3A_68, %dma_start3A_69] : memref<40x1024xf32, #tpu.memory_space<vmem>> -> memref<40x896xf32, #tpu.memory_space<vmem>>
      tpu.enqueue_dma source(%dma_start3A_70 : memref<40x896xf32, #tpu.memory_space<vmem>>) target(%dma_start3A_67 : memref<40x896xf32, #tpu.memory_space<hbm>>) target_semaphore(%arg12 : memref<!tpu.dma_semaphore, #tpu.memory_space<semaphore_mem>>)
      %scan3A_71 = arith.constant 0 : i32
      %scan3A_72 = arith.constant 0 : i32
      %scan3A_73 = arith.constant 40 : i32
      %scan3A_74 = arith.addi %scan3A_72, %scan3A_73 : i32
      %scan3A_75 = arith.constant 1 : i32
      scf.for %scan3A_121 = %scan3A_72 to %scan3A_74 step %scan3A_75  : i32 {
        %get3A = arith.index_cast %scan3A_121 : i32 to index
        %get3A_122 = arith.constant 896 : index
        %get3A_123 = tpu.vector_load %arg6[%get3A, %get3A_122] {strides = array<i32>} : memref<40x1024xf32, #tpu.memory_space<vmem>>, vector<1x16xf32>,
        %get3A_124 = vector.shape_cast %get3A_123 : vector<1x16xf32> to vector<16xf32>
        %swap3A = arith.index_cast %scan3A_121 : i32 to index
        %swap3A_125 = arith.constant 0 : index
        %swap3A_126 = tpu.vector_load %arg8[%swap3A, %swap3A_125] {strides = array<i32>} : memref<40x104xf32, #tpu.memory_space<vmem>>, vector<1x16xf32>,
        %swap3A_127 = vector.shape_cast %swap3A_126 : vector<1x16xf32> to vector<16xf32>
        %swap3A_128 = vector.shape_cast %get3A_124 : vector<16xf32> to vector<1x16xf32>
        tpu.vector_store %arg8[%swap3A, %swap3A_125], %swap3A_128 {strides = array<i32>} : memref<40x104xf32, #tpu.memory_space<vmem>>, vector<1x16xf32>,
        %get3A_129 = arith.index_cast %scan3A_121 : i32 to index
        %get3A_130 = arith.constant 912 : index
        %get3A_131 = tpu.vector_load %arg6[%get3A_129, %get3A_130] {strides = array<i32>} : memref<40x1024xf32, #tpu.memory_space<vmem>>, vector<1x16xf32>,
        %get3A_132 = vector.shape_cast %get3A_131 : vector<1x16xf32> to vector<16xf32>
        %swap3A_133 = arith.index_cast %scan3A_121 : i32 to index
        %swap3A_134 = arith.constant 16 : index
        %swap3A_135 = tpu.vector_load %arg8[%swap3A_133, %swap3A_134] {strides = array<i32>} : memref<40x104xf32, #tpu.memory_space<vmem>>, vector<1x16xf32>,
        %swap3A_136 = vector.shape_cast %swap3A_135 : vector<1x16xf32> to vector<16xf32>
        %swap3A_137 = vector.shape_cast %get3A_132 : vector<16xf32> to vector<1x16xf32>
        tpu.vector_store %arg8[%swap3A_133, %swap3A_134], %swap3A_137 {strides = array<i32>} : memref<40x104xf32, #tpu.memory_space<vmem>>, vector<1x16xf32>,
        %get3A_138 = arith.index_cast %scan3A_121 : i32 to index
        %get3A_139 = arith.constant 928 : index
        %get3A_140 = tpu.vector_load %arg6[%get3A_138, %get3A_139] {strides = array<i32>} : memref<40x1024xf32, #tpu.memory_space<vmem>>, vector<1x16xf32>,
        %get3A_141 = vector.shape_cast %get3A_140 : vector<1x16xf32> to vector<16xf32>
        %swap3A_142 = arith.index_cast %scan3A_121 : i32 to index
        %swap3A_143 = arith.constant 32 : index
        %swap3A_144 = tpu.vector_load %arg8[%swap3A_142, %swap3A_143] {strides = array<i32>} : memref<40x104xf32, #tpu.memory_space<vmem>>, vector<1x16xf32>,
        %swap3A_145 = vector.shape_cast %swap3A_144 : vector<1x16xf32> to vector<16xf32>
        %swap3A_146 = vector.shape_cast %get3A_141 : vector<16xf32> to vector<1x16xf32>
        tpu.vector_store %arg8[%swap3A_142, %swap3A_143], %swap3A_146 {strides = array<i32>} : memref<40x104xf32, #tpu.memory_space<vmem>>, vector<1x16xf32>,
        %get3A_147 = arith.index_cast %scan3A_121 : i32 to index
        %get3A_148 = arith.constant 944 : index
        %get3A_149 = tpu.vector_load %arg6[%get3A_147, %get3A_148] {strides = array<i32>} : memref<40x1024xf32, #tpu.memory_space<vmem>>, vector<1x16xf32>,
        %get3A_150 = vector.shape_cast %get3A_149 : vector<1x16xf32> to vector<16xf32>
        %swap3A_151 = arith.index_cast %scan3A_121 : i32 to index
        %swap3A_152 = arith.constant 48 : index
        %swap3A_153 = tpu.vector_load %arg8[%swap3A_151, %swap3A_152] {strides = array<i32>} : memref<40x104xf32, #tpu.memory_space<vmem>>, vector<1x16xf32>,
        %swap3A_154 = vector.shape_cast %swap3A_153 : vector<1x16xf32> to vector<16xf32>
        %swap3A_155 = vector.shape_cast %get3A_150 : vector<16xf32> to vector<1x16xf32>
        tpu.vector_store %arg8[%swap3A_151, %swap3A_152], %swap3A_155 {strides = array<i32>} : memref<40x104xf32, #tpu.memory_space<vmem>>, vector<1x16xf32>,
        %get3A_156 = arith.index_cast %scan3A_121 : i32 to index
        %get3A_157 = arith.constant 960 : index
        %get3A_158 = tpu.vector_load %arg6[%get3A_156, %get3A_157] {strides = array<i32>} : memref<40x1024xf32, #tpu.memory_space<vmem>>, vector<1x16xf32>,
        %get3A_159 = vector.shape_cast %get3A_158 : vector<1x16xf32> to vector<16xf32>
        %swap3A_160 = arith.index_cast %scan3A_121 : i32 to index
        %swap3A_161 = arith.constant 64 : index
        %swap3A_162 = tpu.vector_load %arg8[%swap3A_160, %swap3A_161] {strides = array<i32>} : memref<40x104xf32, #tpu.memory_space<vmem>>, vector<1x16xf32>,
        %swap3A_163 = vector.shape_cast %swap3A_162 : vector<1x16xf32> to vector<16xf32>
        %swap3A_164 = vector.shape_cast %get3A_159 : vector<16xf32> to vector<1x16xf32>
        tpu.vector_store %arg8[%swap3A_160, %swap3A_161], %swap3A_164 {strides = array<i32>} : memref<40x104xf32, #tpu.memory_space<vmem>>, vector<1x16xf32>,
        %get3A_165 = arith.index_cast %scan3A_121 : i32 to index
        %get3A_166 = arith.constant 976 : index
        %get3A_167 = tpu.vector_load %arg6[%get3A_165, %get3A_166] {strides = array<i32>} : memref<40x1024xf32, #tpu.memory_space<vmem>>, vector<1x16xf32>,
        %get3A_168 = vector.shape_cast %get3A_167 : vector<1x16xf32> to vector<16xf32>
        %swap3A_169 = arith.index_cast %scan3A_121 : i32 to index
        %swap3A_170 = arith.constant 80 : index
        %swap3A_171 = tpu.vector_load %arg8[%swap3A_169, %swap3A_170] {strides = array<i32>} : memref<40x104xf32, #tpu.memory_space<vmem>>, vector<1x16xf32>,
        %swap3A_172 = vector.shape_cast %swap3A_171 : vector<1x16xf32> to vector<16xf32>
        %swap3A_173 = vector.shape_cast %get3A_168 : vector<16xf32> to vector<1x16xf32>
        tpu.vector_store %arg8[%swap3A_169, %swap3A_170], %swap3A_173 {strides = array<i32>} : memref<40x104xf32, #tpu.memory_space<vmem>>, vector<1x16xf32>,
        %get3A_174 = arith.index_cast %scan3A_121 : i32 to index
        %get3A_175 = arith.constant 984 : index
        %get3A_176 = tpu.vector_load %arg6[%get3A_174, %get3A_175] {strides = array<i32>} : memref<40x1024xf32, #tpu.memory_space<vmem>>, vector<1x16xf32>,
        %get3A_177 = vector.shape_cast %get3A_176 : vector<1x16xf32> to vector<16xf32>
        %swap3A_178 = arith.index_cast %scan3A_121 : i32 to index
        %swap3A_179 = arith.constant 88 : index
        %swap3A_180 = tpu.vector_load %arg8[%swap3A_178, %swap3A_179] {strides = array<i32>} : memref<40x104xf32, #tpu.memory_space<vmem>>, vector<1x16xf32>,
        %swap3A_181 = vector.shape_cast %swap3A_180 : vector<1x16xf32> to vector<16xf32>
        %swap3A_182 = vector.shape_cast %get3A_177 : vector<16xf32> to vector<1x16xf32>
        tpu.vector_store %arg8[%swap3A_178, %swap3A_179], %swap3A_182 {strides = array<i32>} : memref<40x104xf32, #tpu.memory_space<vmem>>, vector<1x16xf32>,
      }
      %scan3A_76 = arith.constant 40 : i32
      %dma_start3A_77 = arith.constant 896 : i32
      %dma_start3A_78 = tpu.memref_slice %arg4[%add3A_60, %dma_start3A_77] : memref<204800x1000xf32, #tpu.memory_space<hbm>> -> memref<40x104xf32, #tpu.memory_space<hbm>>
      %dma_start3A_79 = arith.constant 896 : i32
      %dma_start3A_80 = tpu.memref_slice %arg4[%add3A_60, %dma_start3A_79] : memref<204800x1000xf32, #tpu.memory_space<hbm>> -> memref<40x104xf32, #tpu.memory_space<hbm>>
      tpu.enqueue_dma source(%arg8 : memref<40x104xf32, #tpu.memory_space<vmem>>) target(%dma_start3A_80 : memref<40x104xf32, #tpu.memory_space<hbm>>) target_semaphore(%arg14 : memref<!tpu.dma_semaphore, #tpu.memory_space<semaphore_mem>>)
      %mul3A_81 = arith.constant 2 : i32
      %mul3A_82 = arith.muli %scan3A_43, %mul3A_81 : i32
      %add3A_83 = arith.constant 1 : i32
      %add3A_84 = arith.addi %mul3A_82, %add3A_83 : i32
      %add3A_85 = arith.constant 1 : i32
      %add3A_86 = arith.addi %add3A_84, %add3A_85 : i32
      %lt3A_87 = arith.constant 160 : i32
      %lt3A_88 = arith.cmpi slt, %add3A_86, %lt3A_87 : i32
      %convert_element_type3A_89 = arith.extui %lt3A_88 : i1 to i32
      %cond3A_90 = arith.constant 0 : i32
      %cond3A_91 = arith.cmpi ne, %convert_element_type3A_89, %cond3A_90 : i32
      scf.if %cond3A_91 {
        %ge3A = arith.constant 1 : i32
        %ge3A_121 = arith.cmpi sge, %add3A_84, %ge3A : i32
        %convert_element_type3A_122 = arith.extui %ge3A_121 : i1 to i32
        %cond3A_123 = arith.constant 0 : i32
        %cond3A_124 = arith.cmpi ne, %convert_element_type3A_122, %cond3A_123 : i32
        scf.if %cond3A_124 {
          %sub3A = arith.constant 1 : i32
          %sub3A_133 = arith.subi %add3A_84, %sub3A : i32
          %mul3A_134 = arith.constant 40 : i32
          %mul3A_135 = arith.muli %sub3A_133, %mul3A_134 : i32
          %add3A_136 = arith.addi %mul3A_2, %mul3A_135 : i32
          %dma_wait3A_137 = arith.constant 0 : i32
          %dma_wait3A_138 = arith.constant 0 : i32
          %dma_wait3A_139 = tpu.memref_slice %arg6[%dma_wait3A_137, %dma_wait3A_138] : memref<40x1024xf32, #tpu.memory_space<vmem>> -> memref<40x896xf32, #tpu.memory_space<vmem>>
          %dma_wait3A_140 = arith.constant 0 : i32
          %dma_wait3A_141 = tpu.memref_slice %arg4[%add3A_136, %dma_wait3A_140] : memref<204800x1000xf32, #tpu.memory_space<hbm>> -> memref<40x896xf32, #tpu.memory_space<hbm>>
          %dma_wait3A_142 = arith.constant 0 : i32
          %dma_wait3A_143 = tpu.memref_slice %arg4[%add3A_136, %dma_wait3A_142] : memref<204800x1000xf32, #tpu.memory_space<hbm>> -> memref<40x896xf32, #tpu.memory_space<hbm>>
          %dma_wait3A_144 = arith.constant 0 : i32
          %dma_wait3A_145 = arith.constant 0 : i32
          %dma_wait3A_146 = tpu.memref_slice %arg6[%dma_wait3A_144, %dma_wait3A_145] : memref<40x1024xf32, #tpu.memory_space<vmem>> -> memref<40x896xf32, #tpu.memory_space<vmem>>
          tpu.wait_dma2 semaphore(%arg12 : memref<!tpu.dma_semaphore, #tpu.memory_space<semaphore_mem>>) src(%dma_wait3A_146 : memref<40x896xf32, #tpu.memory_space<vmem>>) dst(%dma_wait3A_143 : memref<40x896xf32, #tpu.memory_space<hbm>>)
          %dma_wait3A_147 = arith.constant 896 : i32
          %dma_wait3A_148 = tpu.memref_slice %arg4[%add3A_136, %dma_wait3A_147] : memref<204800x1000xf32, #tpu.memory_space<hbm>> -> memref<40x104xf32, #tpu.memory_space<hbm>>
          %dma_wait3A_149 = arith.constant 896 : i32
          %dma_wait3A_150 = tpu.memref_slice %arg4[%add3A_136, %dma_wait3A_149] : memref<204800x1000xf32, #tpu.memory_space<hbm>> -> memref<40x104xf32, #tpu.memory_space<hbm>>
          tpu.wait_dma2 semaphore(%arg14 : memref<!tpu.dma_semaphore, #tpu.memory_space<semaphore_mem>>) src(%arg8 : memref<40x104xf32, #tpu.memory_space<vmem>>) dst(%dma_wait3A_150 : memref<40x104xf32, #tpu.memory_space<hbm>>)
        } else {
        }
        %add3A_125 = arith.constant 1 : i32
        %add3A_126 = arith.addi %add3A_84, %add3A_125 : i32
        %mul3A_127 = arith.constant 40 : i32
        %mul3A_128 = arith.muli %add3A_126, %mul3A_127 : i32
        %dma_start3A_129 = tpu.memref_slice %arg5[%mul3A_128] : memref<6400xi32, #tpu.memory_space<vmem>> -> memref<40xi32, #tpu.memory_space<vmem>>
        %dma_start3A_130 = arith.constant 0 : i32
        %dma_start3A_131 = arith.constant 0 : i32
        %dma_start3A_132 = tpu.memref_slice %arg3[%dma_start3A_130, %dma_start3A_131] : memref<1000x1024xf32, #tpu.memory_space<hbm>> -> memref<1000x1024xf32, #tpu.memory_space<hbm>>
        tpu.enqueue_indirect_dma source(%dma_start3A_132 : memref<1000x1024xf32, #tpu.memory_space<hbm>>) target(%arg6 : memref<40x1024xf32, #tpu.memory_space<vmem>>) offsets(%dma_start3A_129 : memref<40xi32, #tpu.memory_space<vmem>>) semaphore(%arg10 : memref<!tpu.dma_semaphore, #tpu.memory_space<semaphore_mem>>)
      } else {
      }
      %mul3A_92 = arith.constant 40 : i32
      %mul3A_93 = arith.muli %add3A_84, %mul3A_92 : i32
      %dma_wait3A_94 = tpu.memref_slice %arg5[%mul3A_93] : memref<6400xi32, #tpu.memory_space<vmem>> -> memref<40xi32, #tpu.memory_space<vmem>>
      %dma_wait3A_95 = arith.constant 0 : i32
      %dma_wait3A_96 = arith.constant 0 : i32
      %dma_wait3A_97 = tpu.memref_slice %arg3[%dma_wait3A_95, %dma_wait3A_96] : memref<1000x1024xf32, #tpu.memory_space<hbm>> -> memref<1000x1024xf32, #tpu.memory_space<hbm>>
      tpu.wait_indirect_dma semaphore(%arg11 : memref<!tpu.dma_semaphore, #tpu.memory_space<semaphore_mem>>) src(%dma_wait3A_97 : memref<1000x1024xf32, #tpu.memory_space<hbm>>) dst(%arg7 : memref<40x1024xf32, #tpu.memory_space<vmem>>)
      %mul3A_98 = arith.constant 40 : i32
      %mul3A_99 = arith.muli %add3A_84, %mul3A_98 : i32
      %add3A_100 = arith.addi %mul3A_2, %mul3A_99 : i32
      %dma_start3A_101 = arith.constant 0 : i32
      %dma_start3A_102 = arith.constant 0 : i32
      %dma_start3A_103 = tpu.memref_slice %arg7[%dma_start3A_101, %dma_start3A_102] : memref<40x1024xf32, #tpu.memory_space<vmem>> -> memref<40x896xf32, #tpu.memory_space<vmem>>
      %dma_start3A_104 = arith.constant 0 : i32
      %dma_start3A_105 = tpu.memref_slice %arg4[%add3A_100, %dma_start3A_104] : memref<204800x1000xf32, #tpu.memory_space<hbm>> -> memref<40x896xf32, #tpu.memory_space<hbm>>
      %dma_start3A_106 = arith.constant 0 : i32
      %dma_start3A_107 = tpu.memref_slice %arg4[%add3A_100, %dma_start3A_106] : memref<204800x1000xf32, #tpu.memory_space<hbm>> -> memref<40x896xf32, #tpu.memory_space<hbm>>
      %dma_start3A_108 = arith.constant 0 : i32
      %dma_start3A_109 = arith.constant 0 : i32
      %dma_start3A_110 = tpu.memref_slice %arg7[%dma_start3A_108, %dma_start3A_109] : memref<40x1024xf32, #tpu.memory_space<vmem>> -> memref<40x896xf32, #tpu.memory_space<vmem>>
      tpu.enqueue_dma source(%dma_start3A_110 : memref<40x896xf32, #tpu.memory_space<vmem>>) target(%dma_start3A_107 : memref<40x896xf32, #tpu.memory_space<hbm>>) target_semaphore(%arg13 : memref<!tpu.dma_semaphore, #tpu.memory_space<semaphore_mem>>)
      %scan3A_111 = arith.constant 0 : i32
      %scan3A_112 = arith.constant 0 : i32
      %scan3A_113 = arith.constant 40 : i32
      %scan3A_114 = arith.addi %scan3A_112, %scan3A_113 : i32
      %scan3A_115 = arith.constant 1 : i32
      scf.for %scan3A_121 = %scan3A_112 to %scan3A_114 step %scan3A_115  : i32 {
        %get3A = arith.index_cast %scan3A_121 : i32 to index
        %get3A_122 = arith.constant 896 : index
        %get3A_123 = tpu.vector_load %arg7[%get3A, %get3A_122] {strides = array<i32>} : memref<40x1024xf32, #tpu.memory_space<vmem>>, vector<1x16xf32>,
        %get3A_124 = vector.shape_cast %get3A_123 : vector<1x16xf32> to vector<16xf32>
        %swap3A = arith.index_cast %scan3A_121 : i32 to index
        %swap3A_125 = arith.constant 0 : index
        %swap3A_126 = tpu.vector_load %arg9[%swap3A, %swap3A_125] {strides = array<i32>} : memref<40x104xf32, #tpu.memory_space<vmem>>, vector<1x16xf32>,
        %swap3A_127 = vector.shape_cast %swap3A_126 : vector<1x16xf32> to vector<16xf32>
        %swap3A_128 = vector.shape_cast %get3A_124 : vector<16xf32> to vector<1x16xf32>
        tpu.vector_store %arg9[%swap3A, %swap3A_125], %swap3A_128 {strides = array<i32>} : memref<40x104xf32, #tpu.memory_space<vmem>>, vector<1x16xf32>,
        %get3A_129 = arith.index_cast %scan3A_121 : i32 to index
        %get3A_130 = arith.constant 912 : index
        %get3A_131 = tpu.vector_load %arg7[%get3A_129, %get3A_130] {strides = array<i32>} : memref<40x1024xf32, #tpu.memory_space<vmem>>, vector<1x16xf32>,
        %get3A_132 = vector.shape_cast %get3A_131 : vector<1x16xf32> to vector<16xf32>
        %swap3A_133 = arith.index_cast %scan3A_121 : i32 to index
        %swap3A_134 = arith.constant 16 : index
        %swap3A_135 = tpu.vector_load %arg9[%swap3A_133, %swap3A_134] {strides = array<i32>} : memref<40x104xf32, #tpu.memory_space<vmem>>, vector<1x16xf32>,
        %swap3A_136 = vector.shape_cast %swap3A_135 : vector<1x16xf32> to vector<16xf32>
        %swap3A_137 = vector.shape_cast %get3A_132 : vector<16xf32> to vector<1x16xf32>
        tpu.vector_store %arg9[%swap3A_133, %swap3A_134], %swap3A_137 {strides = array<i32>} : memref<40x104xf32, #tpu.memory_space<vmem>>, vector<1x16xf32>,
        %get3A_138 = arith.index_cast %scan3A_121 : i32 to index
        %get3A_139 = arith.constant 928 : index
        %get3A_140 = tpu.vector_load %arg7[%get3A_138, %get3A_139] {strides = array<i32>} : memref<40x1024xf32, #tpu.memory_space<vmem>>, vector<1x16xf32>,
        %get3A_141 = vector.shape_cast %get3A_140 : vector<1x16xf32> to vector<16xf32>
        %swap3A_142 = arith.index_cast %scan3A_121 : i32 to index
        %swap3A_143 = arith.constant 32 : index
        %swap3A_144 = tpu.vector_load %arg9[%swap3A_142, %swap3A_143] {strides = array<i32>} : memref<40x104xf32, #tpu.memory_space<vmem>>, vector<1x16xf32>,
        %swap3A_145 = vector.shape_cast %swap3A_144 : vector<1x16xf32> to vector<16xf32>
        %swap3A_146 = vector.shape_cast %get3A_141 : vector<16xf32> to vector<1x16xf32>
        tpu.vector_store %arg9[%swap3A_142, %swap3A_143], %swap3A_146 {strides = array<i32>} : memref<40x104xf32, #tpu.memory_space<vmem>>, vector<1x16xf32>,
        %get3A_147 = arith.index_cast %scan3A_121 : i32 to index
        %get3A_148 = arith.constant 944 : index
        %get3A_149 = tpu.vector_load %arg7[%get3A_147, %get3A_148] {strides = array<i32>} : memref<40x1024xf32, #tpu.memory_space<vmem>>, vector<1x16xf32>,
        %get3A_150 = vector.shape_cast %get3A_149 : vector<1x16xf32> to vector<16xf32>
        %swap3A_151 = arith.index_cast %scan3A_121 : i32 to index
        %swap3A_152 = arith.constant 48 : index
        %swap3A_153 = tpu.vector_load %arg9[%swap3A_151, %swap3A_152] {strides = array<i32>} : memref<40x104xf32, #tpu.memory_space<vmem>>, vector<1x16xf32>,
        %swap3A_154 = vector.shape_cast %swap3A_153 : vector<1x16xf32> to vector<16xf32>
        %swap3A_155 = vector.shape_cast %get3A_150 : vector<16xf32> to vector<1x16xf32>
        tpu.vector_store %arg9[%swap3A_151, %swap3A_152], %swap3A_155 {strides = array<i32>} : memref<40x104xf32, #tpu.memory_space<vmem>>, vector<1x16xf32>,
        %get3A_156 = arith.index_cast %scan3A_121 : i32 to index
        %get3A_157 = arith.constant 960 : index
        %get3A_158 = tpu.vector_load %arg7[%get3A_156, %get3A_157] {strides = array<i32>} : memref<40x1024xf32, #tpu.memory_space<vmem>>, vector<1x16xf32>,
        %get3A_159 = vector.shape_cast %get3A_158 : vector<1x16xf32> to vector<16xf32>
        %swap3A_160 = arith.index_cast %scan3A_121 : i32 to index
        %swap3A_161 = arith.constant 64 : index
        %swap3A_162 = tpu.vector_load %arg9[%swap3A_160, %swap3A_161] {strides = array<i32>} : memref<40x104xf32, #tpu.memory_space<vmem>>, vector<1x16xf32>,
        %swap3A_163 = vector.shape_cast %swap3A_162 : vector<1x16xf32> to vector<16xf32>
        %swap3A_164 = vector.shape_cast %get3A_159 : vector<16xf32> to vector<1x16xf32>
        tpu.vector_store %arg9[%swap3A_160, %swap3A_161], %swap3A_164 {strides = array<i32>} : memref<40x104xf32, #tpu.memory_space<vmem>>, vector<1x16xf32>,
        %get3A_165 = arith.index_cast %scan3A_121 : i32 to index
        %get3A_166 = arith.constant 976 : index
        %get3A_167 = tpu.vector_load %arg7[%get3A_165, %get3A_166] {strides = array<i32>} : memref<40x1024xf32, #tpu.memory_space<vmem>>, vector<1x16xf32>,
        %get3A_168 = vector.shape_cast %get3A_167 : vector<1x16xf32> to vector<16xf32>
        %swap3A_169 = arith.index_cast %scan3A_121 : i32 to index
        %swap3A_170 = arith.constant 80 : index
        %swap3A_171 = tpu.vector_load %arg9[%swap3A_169, %swap3A_170] {strides = array<i32>} : memref<40x104xf32, #tpu.memory_space<vmem>>, vector<1x16xf32>,
        %swap3A_172 = vector.shape_cast %swap3A_171 : vector<1x16xf32> to vector<16xf32>
        %swap3A_173 = vector.shape_cast %get3A_168 : vector<16xf32> to vector<1x16xf32>
        tpu.vector_store %arg9[%swap3A_169, %swap3A_170], %swap3A_173 {strides = array<i32>} : memref<40x104xf32, #tpu.memory_space<vmem>>, vector<1x16xf32>,
        %get3A_174 = arith.index_cast %scan3A_121 : i32 to index
        %get3A_175 = arith.constant 984 : index
        %get3A_176 = tpu.vector_load %arg7[%get3A_174, %get3A_175] {strides = array<i32>} : memref<40x1024xf32, #tpu.memory_space<vmem>>, vector<1x16xf32>,
        %get3A_177 = vector.shape_cast %get3A_176 : vector<1x16xf32> to vector<16xf32>
        %swap3A_178 = arith.index_cast %scan3A_121 : i32 to index
        %swap3A_179 = arith.constant 88 : index
        %swap3A_180 = tpu.vector_load %arg9[%swap3A_178, %swap3A_179] {strides = array<i32>} : memref<40x104xf32, #tpu.memory_space<vmem>>, vector<1x16xf32>,
        %swap3A_181 = vector.shape_cast %swap3A_180 : vector<1x16xf32> to vector<16xf32>
        %swap3A_182 = vector.shape_cast %get3A_177 : vector<16xf32> to vector<1x16xf32>
        tpu.vector_store %arg9[%swap3A_178, %swap3A_179], %swap3A_182 {strides = array<i32>} : memref<40x104xf32, #tpu.memory_space<vmem>>, vector<1x16xf32>,
      }
      %scan3A_116 = arith.constant 40 : i32
      %dma_start3A_117 = arith.constant 896 : i32
      %dma_start3A_118 = tpu.memref_slice %arg4[%add3A_100, %dma_start3A_117] : memref<204800x1000xf32, #tpu.memory_space<hbm>> -> memref<40x104xf32, #tpu.memory_space<hbm>>
      %dma_start3A_119 = arith.constant 896 : i32
      %dma_start3A_120 = tpu.memref_slice %arg4[%add3A_100, %dma_start3A_119] : memref<204800x1000xf32, #tpu.memory_space<hbm>> -> memref<40x104xf32, #tpu.memory_space<hbm>>
      tpu.enqueue_dma source(%arg9 : memref<40x104xf32, #tpu.memory_space<vmem>>) target(%dma_start3A_120 : memref<40x104xf32, #tpu.memory_space<hbm>>) target_semaphore(%arg15 : memref<!tpu.dma_semaphore, #tpu.memory_space<semaphore_mem>>)
    }
    %scan3A_11 = arith.constant 80 : i32
    %add3A_12 = arith.constant 6320 : i32
    %add3A_13 = arith.addi %mul3A_2, %add3A_12 : i32
    %dma_wait3A = arith.constant 0 : i32
    %dma_wait3A_14 = arith.constant 0 : i32
    %dma_wait3A_15 = tpu.memref_slice %arg6[%dma_wait3A, %dma_wait3A_14] : memref<40x1024xf32, #tpu.memory_space<vmem>> -> memref<40x896xf32, #tpu.memory_space<vmem>>
    %dma_wait3A_16 = arith.constant 0 : i32
    %dma_wait3A_17 = tpu.memref_slice %arg4[%add3A_13, %dma_wait3A_16] : memref<204800x1000xf32, #tpu.memory_space<hbm>> -> memref<40x896xf32, #tpu.memory_space<hbm>>
    %dma_wait3A_18 = arith.constant 0 : i32
    %dma_wait3A_19 = tpu.memref_slice %arg4[%add3A_13, %dma_wait3A_18] : memref<204800x1000xf32, #tpu.memory_space<hbm>> -> memref<40x896xf32, #tpu.memory_space<hbm>>
    %dma_wait3A_20 = arith.constant 0 : i32
    %dma_wait3A_21 = arith.constant 0 : i32
    %dma_wait3A_22 = tpu.memref_slice %arg6[%dma_wait3A_20, %dma_wait3A_21] : memref<40x1024xf32, #tpu.memory_space<vmem>> -> memref<40x896xf32, #tpu.memory_space<vmem>>
    tpu.wait_dma2 semaphore(%arg12 : memref<!tpu.dma_semaphore, #tpu.memory_space<semaphore_mem>>) src(%dma_wait3A_22 : memref<40x896xf32, #tpu.memory_space<vmem>>) dst(%dma_wait3A_19 : memref<40x896xf32, #tpu.memory_space<hbm>>)
    %dma_wait3A_23 = arith.constant 896 : i32
    %dma_wait3A_24 = tpu.memref_slice %arg4[%add3A_13, %dma_wait3A_23] : memref<204800x1000xf32, #tpu.memory_space<hbm>> -> memref<40x104xf32, #tpu.memory_space<hbm>>
    %dma_wait3A_25 = arith.constant 896 : i32
    %dma_wait3A_26 = tpu.memref_slice %arg4[%add3A_13, %dma_wait3A_25] : memref<204800x1000xf32, #tpu.memory_space<hbm>> -> memref<40x104xf32, #tpu.memory_space<hbm>>
    tpu.wait_dma2 semaphore(%arg14 : memref<!tpu.dma_semaphore, #tpu.memory_space<semaphore_mem>>) src(%arg8 : memref<40x104xf32, #tpu.memory_space<vmem>>) dst(%dma_wait3A_26 : memref<40x104xf32, #tpu.memory_space<hbm>>)
    %add3A_27 = arith.constant 6360 : i32
    %add3A_28 = arith.addi %mul3A_2, %add3A_27 : i32
    %dma_wait3A_29 = arith.constant 0 : i32
    %dma_wait3A_30 = arith.constant 0 : i32
    %dma_wait3A_31 = tpu.memref_slice %arg7[%dma_wait3A_29, %dma_wait3A_30] : memref<40x1024xf32, #tpu.memory_space<vmem>> -> memref<40x896xf32, #tpu.memory_space<vmem>>
    %dma_wait3A_32 = arith.constant 0 : i32
    %dma_wait3A_33 = tpu.memref_slice %arg4[%add3A_28, %dma_wait3A_32] : memref<204800x1000xf32, #tpu.memory_space<hbm>> -> memref<40x896xf32, #tpu.memory_space<hbm>>
    %dma_wait3A_34 = arith.constant 0 : i32
    %dma_wait3A_35 = tpu.memref_slice %arg4[%add3A_28, %dma_wait3A_34] : memref<204800x1000xf32, #tpu.memory_space<hbm>> -> memref<40x896xf32, #tpu.memory_space<hbm>>
    %dma_wait3A_36 = arith.constant 0 : i32
    %dma_wait3A_37 = arith.constant 0 : i32
    %dma_wait3A_38 = tpu.memref_slice %arg7[%dma_wait3A_36, %dma_wait3A_37] : memref<40x1024xf32, #tpu.memory_space<vmem>> -> memref<40x896xf32, #tpu.memory_space<vmem>>
    tpu.wait_dma2 semaphore(%arg13 : memref<!tpu.dma_semaphore, #tpu.memory_space<semaphore_mem>>) src(%dma_wait3A_38 : memref<40x896xf32, #tpu.memory_space<vmem>>) dst(%dma_wait3A_35 : memref<40x896xf32, #tpu.memory_space<hbm>>)
    %dma_wait3A_39 = arith.constant 896 : i32
    %dma_wait3A_40 = tpu.memref_slice %arg4[%add3A_28, %dma_wait3A_39] : memref<204800x1000xf32, #tpu.memory_space<hbm>> -> memref<40x104xf32, #tpu.memory_space<hbm>>
    %dma_wait3A_41 = arith.constant 896 : i32
    %dma_wait3A_42 = tpu.memref_slice %arg4[%add3A_28, %dma_wait3A_41] : memref<204800x1000xf32, #tpu.memory_space<hbm>> -> memref<40x104xf32, #tpu.memory_space<hbm>>
    tpu.wait_dma2 semaphore(%arg15 : memref<!tpu.dma_semaphore, #tpu.memory_space<semaphore_mem>>) src(%arg9 : memref<40x104xf32, #tpu.memory_space<vmem>>) dst(%dma_wait3A_42 : memref<40x104xf32, #tpu.memory_space<hbm>>)
    return
  }
}

</mosaic_0001>

<sc_bundles>
// kernel: kernel.3.cloned.1.call-start
scs
__scs_entry_jumppad:
0x0: {  	(pc) =	sbr.rel $0x88, $3  }
0x1: {  	(tag) =	ssettag $0x0;
	lr =	simm.s32 $0x1  }
0x2: {  	[smem:$0x3F9F] =	sst lr;
	_ =	strace $0xD0000000  }
0x3: {  	_ = 	snop  }
0x4: {  	_ = 	snop  }
0x5: {  	_ = 	snop  }
0x6: {  	_ = 	snop  }
0x7: {  	_ = 	snop  }
__scs_overlays_trampoline_lowered:
0x8: {  	[smem:$0x3FAE] =	sst s0  }
0x9: {  	[smem:$0x3FAF] =	sst s1  }
0xa: {  	[smem:$0x3FB0] =	sst s2  }
0xb: {  	[smem:$0x3FB1] =	sst s3  }
0xc: {  	[smem:$0x3FB2] =	sst s4  }
0xd: {  	[smem:$0x3FB3] =	sst s5  }
0xe: {  	[smem:$0x3FB4] =	sst s6  }
0xf: {  	[smem:$0x3FB5] =	sst s7  }
0x10: {  	[smem:$0x3FB6] =	sst s8  }
0x11: {  	[smem:$0x3FB7] =	sst s9;
	s0 =	simm.s32 @!p0 $0x0  }
0x12: {  	s1 =	sld [smem:$0x3F9D];
	s0 =	simm.s32 @p0 $0x1  }
0x13: {  	[smem:$0x3FB8] =	sst s0;
	s0 =	simm.s32 @!p1 $0x0  }
0x14: {  	s2 =	sld [smem:$0x3F9C];
	s0 =	simm.s32 @p1 $0x1  }
0x15: {  	[smem:$0x3FB9] =	sst s0;
	s0 =	simm.s32 @!p2 $0x0  }
0x16: {  	s3 =	sld [smem:$0x3FDB];
	s0 =	simm.s32 @p2 $0x1  }
0x17: {  	s4 =	simm.s32 $0x1BF5;
	[smem:$0x3FBB] =	sst s0  }
0x18: {  	s0 =	sld [smem:$0x3F9E];
	_ =	swait.ge [sflag:s4], $0x0  }
0x19: {  	s7 =	sld [smem:$0x3F9F]  }
0x1a: {  	s8 =	sadd.s32 $0xFFFFE003, lr  }
0x1b: {  	s9 =	sadd.s32 $0xFFFFFEF7, lr;
	s5 =	simm.s32 $0xFFFFFFFF;
	p2 =	slt.u32 s8, $0xFFFFF086  }
0x1c: {  	p1 =	slt.u32 s9, $0xF7A;
	s5 =	simm.s32 @!p2 $0x0  }
0x1d: {  	s5 =	simm.s32 @p1 $0x1;
	p0 =	seq.s32 s7, s2  }
0x1e: {  	s7 =	smul.u32 @!p0 $0xF7A, s2;
	p2 =	seq.s32 @!p0 s5, $0x0  }
0x1f: {  	s9 =	smul.u32 $0xF7A, s1;
	s8 =	simm.s32 @!p0 $0x1BF5;
	p2 =	por !p2, p0  }
0x20: {  	[sflag:s8] =	ssyncset.s32 @!p0 $0xFFFFF086;
	s6 =	sadd.s32 @!p0 s3, s7;
	s7 =	simm.s32 @!p0 $0x108  }
0x21: {  	s3 =	sadd.s32 s3, s9;
	s6 =	sadd.s32 @!p0 $0x88, s6;
	s7 =	simm.s32 @p2 $0x1082  }
0x22: {  	[simem:s7], [sflag:s8] =	dma.local @!p0 [hbm:s6], $0xF7A  }
0x23: {  	s9 =	sor.u32 $0xD0000000, s2;
	s6 =	simm.s32 $0x108;
	_ =	swait.ge @!p0 [sflag:s8], $0x0  }
0x24: {  	s3 =	sadd.s32 $0x88, s3;
	s6 =	simm.s32 @!p1 $0x1082;
	[sflag:s4] =	ssyncset.s32 $0xFFFFF086  }
0x25: {  	[simem:s6], [sflag:s4] =	dma.local [hbm:s3], $0xF7A  }
0x26: {  	[smem:$0x3F9F] =	sst s1;
	(tag) =	ssettag s2;
	_ =	strace s9  }
0x27: {  	s1 =	sld [smem:$0x3FAF]  }
0x28: {  	s2 =	sld [smem:$0x3FB0]  }
0x29: {  	s4 =	sld [smem:$0x3FB2]  }
0x2a: {  	p0 =	seq.s32 s5, $0x0;
	s5 =	sld [smem:$0x3FB3]  }
0x2b: {  	s6 =	sld [smem:$0x3FB4]  }
0x2c: {  	s7 =	sld [smem:$0x3FB5]  }
0x2d: {  	s3 =	simm.s32 $0x108;
	s8 =	sld [smem:$0x3FB6]  }
0x2e: {  	s3 =	simm.s32 @!p0 $0x1082;
	s9 =	sld [smem:$0x3FB7]  }
0x2f: {  	lr =	sadd.s32 s0, s3;
	s0 =	sld [smem:$0x3FAE]  }
0x30: {  	s3 =	sld [smem:$0x3FB1]  }
0x31: {  	[smem:$0x3FBA] =	sst s10  }
0x32: {  	s10 =	sld [smem:$0x3FB8];
	_ =	sdelay $0x3  }
0x33: {  	p0 =	seq.s32 s10, $0x1;
	s10 =	sld [smem:$0x3FBA];
	_ =	sdelay $0x3  }
0x34: {  	[smem:$0x3FBA] =	sst s10  }
0x35: {  	s10 =	sld [smem:$0x3FB9];
	_ =	sdelay $0x3  }
0x36: {  	p1 =	seq.s32 s10, $0x1;
	s10 =	sld [smem:$0x3FBA];
	_ =	sdelay $0x3  }
0x37: {  	[smem:$0x3FBA] =	sst s10  }
0x38: {  	s10 =	sld [smem:$0x3FBB]  }
0x39: {  	_ = 	snop;
	(pc) =	sbr.ind lr, $3  }
0x3a: {  	_ = 	snop  }
0x3b: {  	_ = 	snop  }
0x3c: {  	p2 =	seq.s32 s10, $0x1;
	s10 =	sld [smem:$0x3FBA]  }
0x3d: {  	_ =	shalt  }
0x3e: {  	_ =	shalt  }
0x3f: {  	_ =	shalt  }
0x40: {  	_ =	shalt  }
0x41: {  	_ =	shalt  }
0x42: {  	_ =	shalt  }
0x43: {  	_ =	shalt  }
0x44: {  	_ =	shalt  }
0x45: {  	_ =	shalt  }
0x46: {  	_ =	shalt  }
0x47: {  	_ =	shalt  }
0x48: {  	_ =	shalt  }
0x49: {  	_ =	shalt  }
0x4a: {  	_ =	shalt  }
0x4b: {  	_ =	shalt  }
0x4c: {  	_ =	shalt  }
0x4d: {  	_ =	shalt  }
0x4e: {  	_ =	shalt  }
0x4f: {  	_ =	shalt  }
0x50: {  	_ =	shalt  }
0x51: {  	_ =	shalt  }
0x52: {  	_ =	shalt  }
0x53: {  	_ =	shalt  }
0x54: {  	_ =	shalt  }
0x55: {  	_ =	shalt  }
0x56: {  	_ =	shalt  }
0x57: {  	_ =	shalt  }
0x58: {  	_ =	shalt  }
0x59: {  	_ =	shalt  }
0x5a: {  	_ =	shalt  }
0x5b: {  	_ =	shalt  }
0x5c: {  	_ =	shalt  }
0x5d: {  	_ =	shalt  }
0x5e: {  	_ =	shalt  }
0x5f: {  	_ =	shalt  }
0x60: {  	_ =	shalt  }
0x61: {  	_ =	shalt  }
0x62: {  	_ =	shalt  }
0x63: {  	_ =	shalt  }
0x64: {  	_ =	shalt  }
0x65: {  	_ =	shalt  }
0x66: {  	_ =	shalt  }
0x67: {  	_ =	shalt  }
0x68: {  	_ =	shalt  }
0x69: {  	_ =	shalt  }
0x6a: {  	_ =	shalt  }
0x6b: {  	_ =	shalt  }
0x6c: {  	_ =	shalt  }
0x6d: {  	_ =	shalt  }
0x6e: {  	_ =	shalt  }
0x6f: {  	_ =	shalt  }
0x70: {  	_ =	shalt  }
0x71: {  	_ =	shalt  }
0x72: {  	_ =	shalt  }
0x73: {  	_ =	shalt  }
0x74: {  	_ =	shalt  }
0x75: {  	_ =	shalt  }
0x76: {  	_ =	shalt  }
0x77: {  	_ =	shalt  }
0x78: {  	_ =	shalt  }
0x79: {  	_ =	shalt  }
0x7a: {  	_ =	shalt  }
0x7b: {  	_ =	shalt  }
0x7c: {  	_ =	shalt  }
0x7d: {  	_ =	shalt  }
0x7e: {  	_ =	shalt  }
0x7f: {  	_ =	shalt  }
0x80: {  	_ =	shalt  }
0x81: {  	_ =	shalt  }
0x82: {  	_ =	shalt  }
0x83: {  	_ =	shalt  }
0x84: {  	_ =	shalt  }
0x85: {  	_ =	shalt  }
0x86: {  	_ =	shalt  }
0x87: {  	_ =	shalt  }
.Lfunc_end0:
.L_simem_size_0:
called_computation.1_lowered:
.L_overlay_start_0:
0x88: {  	s2 =	sld [smem:$0x3FD9]  }
0x89: {  	s3 =	sld [smem:$0x3FFE];
	_ =	sdelay $0x1  }
0x8a: {  	s1 =	srdreg.scid  }
0x8b: {  	s0 =	sand.u32 $0x1, s1  }
0x8c: {  	s17 =	sshll.u32 s0, $0xA;
	s2 =	sadd.s32 s3, s2  }
0x8d: {  	s2 =	sadd.s32 s2, s17  }
0x8e: {  	[smem:$0x3FC6] =	sst s2  }
0x8f: {  	_ = 	snop  }
0x90: {  	s2 =	sld [smem:$0x3FD0];
	(tm) =	ssettm $0x1  }
0x91: {  	s18 =	sld [smem:$0x3FFB];
	_ =	sdelay $0x3  }
0x92: {  	_ =	strace s18  }
0x93: {  	s3 =	sld [smem:$0x3FFC];
	_ =	sdelay $0x3  }
0x94: {  	_ =	strace s3  }
0x95: {  	s3 =	sld [smem:$0x3FFD];
	_ =	sdelay $0x3  }
0x96: {  	_ =	strace s3  }
0x97: {  	_ =	strace $0x8FFFFFFF  }
0x98: {  	s19 =	sld [smem:$0x3FDB];
	_ =	sdelay $0x1  }
0x99: {  	s4 =	simm.s32 $_scs_section_size  }
0x9a: {  	s5 =	simm.s32 $_size__tile_overlayer_lowered;
	s6 =	simm.s32 $_tile_overlayer_lowered  }
0x9b: {  	s22 =	simm.s32 $0x1BFF;
	s21 =	sshll.u32 s6, $0x1;
	s3 =	sadd.s32 s4, s19  }
0x9c: {  	s7 =	simm.s32 $0x0;
	s20 =	sshll.u32 s5, $0x1;
	s5 =	sadd.s32 s21, s3  }
0x9d: {  	[timem:s7], [sflag:s22] =	dma.local [hbm:s5], s20  }
0x9e: {  	_ =	swait.ge [sflag:s22], s20  }
0x9f: {  	s4 =	ssub.s32 $0x0, s20;
	[sflag:s22] =	ssyncset.done $0x0  }
0xa0: {  	[sflag:s22] =	ssyncadd.s32 s4;
	_ =	sdelay $0x1  }
0xa1: {  	s23 =	simm.s32 $0x1B8B  }
0xa2: {  	_ =	swait.ge [sflag:s23], $0x1  }
0xa3: {  	[sflag:s23] =	ssyncset.done $0x0  }
0xa4: {  	s25 =	simm.s32 $0x1B8E;
	s24 =	sld [smem:$0x3FFE];
	[sflag:s23] =	ssyncadd.s32 $0xFFFFFFFF  }
0xa5: {  	s26 =	simm.s32 $execute0_lowered;
	[smem:$0x3FD2] =	sst s25  }
0xa6: {  	s5 =	sshll.u32 s26, $0x1;
	_ =	strace $0x80000046;
	[dreg:$0x1] =	wrdreg $0xFFFFFFFF  }
0xa7: {  	s28 =	simm.s32 $_size_execute0_lowered;
	s3 =	sadd.s32 s3, s5;
	[dreg:$0x0] =	wrdreg $0x0  }
0xa8: {  	s5 =	sshll.u32 s28, $0x1;
	[dreg:$0x2] =	wrdreg s3  }
0xa9: {  	[dreg:$0x3] =	wrdreg s5  }
0xaa: {  	[dreg:$0x4] =	wrdreg $0xC0  }
0xab: {  	_ =	task [dreg:s7], $0x5FFFF  }
0xac: {  	[dreg:$0x1] =	wrdreg $0xFFFFFFFF  }
0xad: {  	[dreg:$0x0] =	wrdreg $0x60  }
0xae: {  	[dreg:$0x2] =	wrdreg s24  }
0xaf: {  	[dreg:$0x3] =	wrdreg s2  }
0xb0: {  	[dreg:$0x4] =	wrdreg $0x9  }
0xb1: {  	_ =	task.clear_ibuf [dreg:s7], $0x5FFFF;
	_ =	strace $0x90000046  }
0xb2: {  	s29 =	simm.s32 $0x9;
	_ =	strace $0x80000048  }
0xb3: {  	_ =	swait.ge [sflag:s29], $0x1  }
0xb4: {  	[sflag:s29] =	ssyncadd.s32 $0xFFFFFFFF  }
0xb5: {  	_ =	strace $0x90000048  }
0xb6: {  	_ =	sfence  }
0xb7: {  	s30 =	sld [smem:$0x0];
	_ =	sdelay $0x2  }
0xb8: {  	s31 =	sshll.u32 s1, $0xD;
	s1 =	sshrl.u32 s1, $0x2  }
0xb9: {  	s3 =	sand.u32 $0x4000, s31;
	s1 =	sadd.s32 s1, s30  }
0xba: {  	s0 =	sor.u32 s3, s0;
	s1 =	sshll.u32 s1, $0x11  }
0xbb: {  	s0 =	sor.u32 s1, s0  }
0xbc: {  	s0 =	sadd.s32 $0x8F2B, s0  }
0xbd: {  	[sflag:s0] =	ssyncadd.remote.s32 $0x1  }
0xbe: {  	_ =	sfence.sel $0xFFFF  }
0xbf: {  	[dreg:$0x0] =	wrdreg $0xFFFFFFFF;
	(pc) =	sbr.abs _section_cstart, $3  }
0xc0: {  	[dreg:$0x1] =	wrdreg $0xFFFFFFFF  }
0xc1: {  	_ =	task.clear_ibuf [dreg:s7], $0x2FFFF;
	_ =	strace $0x9FFFFFFF  }
0xc2: {  	(tm) =	ssettm $0x7FFFFFFF  }
0xc3: {  	_ =	shalt  }
tec
execute0_lowered:
.L_overlay_start_1:
0x0: {  	(tag) =	ssettag $0x1  }
0x1: {  	s0 =	srdreg.scid;
	s6 =	rddreg [dreg:$0x0]  }
0x2: {  	s1 =	stileid.u32;
	s2 =	rddreg [dreg:$0x1]  }
0x3: {  	s4 =	simm.s32 $0x0;
	s21 =	simm.s32 $0x5900;
	s25 =	simm.s32 $0x7900  }
0x4: {  	s30 =	simm.s32 $0x9900;
	s15 =	simm.s32 $0xD900;
	s20 =	simm.s32 $0xF900  }
0x5: {  	s26 =	simm.s32 $0x11900;
	s14 =	simm.s32 $0x1;
	s16 =	simm.s32 $0x400  }
0x6: {  	s18 =	simm.s32 $0x2000;
	s22 =	simm.s32 $0x2;
	s24 =	simm.s32 $0x3  }
0x7: {  	s28 =	simm.s32 $0x5;
	s0 =	sand.u32 $0x1, s0;
	s1 =	sshll.u32 s1, $0x1  }
0x8: {  	v0 =	vimm.s32 $0xFEDCBA98;
	s12 =	simm.s32 $0x0;
	[smem:$0x7FF] =	sst s4;
	s1 =	sor.u32 s0, s1  }
0x9: {  	v1 =	vimm.s32 $0x76543210;
	s5 =	sadd.s32 $0x6C00, s6;
	v0 =	vunpack.c.l.s4.s8 v0;
	s0 =	ssub.s32 $0x2, s0;
	s3 =	smul.u32 $0x1900, s1  }
0xa: {  	s8 =	sadd.s32 $0x200, s2;
	s9 =	sadd.s32 $0x300, s2;
	v1 =	vunpack.c.l.s4.s8 v1;
	s7 =	sshrl.u32 s0, $0x1  }
0xb: {  	v2 =	vlaneseq.u32;
	s10 =	sadd.s32 $0x6F80, s6;
	v3 =	vunpack.c.0.s8.s32 v0;
	s0 =	ssub.s32 s0, s7;
	s1 =	sshrl.u32 s3, $0x3  }
0xc: {  	vm0 =	vmmov $0xffff;
	vm1 =	vmmov $0xff;
	_ =	strace $0x80000047;
	v5 =	vunpack.c.0.s8.s32 v1;
	s0 =	smax.u32 s0, $0x1;
	s1 =	sadd.s32 s1, s6  }
0xd: {  	v4 =	vshrl.u32 v2, $0x3;
	v0 =	vand.u32 $0x7, v2;
	s7 =	sadd.s32 $0x100, s2;
	v3 =	vand.u32 $0xF, v3;
	[dreg:$0x4] =	wrdreg s0;
	s1 =	sadd.s32 $0x800, s1  }
0xe: {  	v1 =	vmul.u32 $0x8, v4;
	v2 =	vor.u32 $0x8, v2;
	s6 =	simm.s32 $0xB900;
	v3 =	vcombine.low v3, v5;
	[dreg:$0x3] =	wrdreg s1;
	s1 =	simm.s32 $0x13900  }
.LBB2_1:
0xf: {  	[dreg:$0x5] =	wrdreg s12  }
0x10: {  	s0 =	rddreg [dreg:$0x3];
	s17 =	simm.s32 $0x7  }
0x11: {  	[tilespmem:s4], [sflag:$0x7] =	stream.linear.gather [hbm4b:s0+s4], $0x1900, $0x38;
	[tilespmem:$0x18100] =	vst v63  }
0x12: {  	_ =	swait.ge [sflag:s17], $0x1900  }
0x13: {  	[sflag:s17] =	ssyncset.done $0x0  }
0x14: {  	[sflag:s17] =	ssyncadd.s32 $0xFFFFE700  }
0x15: {  	v4 =	vld [tilespmem:$0x0];
	_ =	sdelay $0x4  }
0x16: {  	v5 =	vshll.u32 v4, $0x3  }
0x17: {  	v4 =	vand.u32 $0x7, v4;
	v5 =	vand.u32 $0xFFFFFFC0, v5  }
0x18: {  	v4 =	vor.u32 v4, v5  }
0x19: {  	v5 =	vperm.xlane v4, v0;
	_ =	sdelay $0x1  }
0x1a: {  	v5 =	vadd.s32 v1, v5;
	_ =	sdelay $0x3  }
0x1b: {  	s19 =	simm.s32 $0x1900  }
0x1c: {  	[tilespmem:s19], [sflag:$0x1] =	stream.indirect_vreg.gather [hbm4b:s2+s4], $0x80, v5, vm0, $0xb8;
	[tilespmem:$0x18100] =	vst v63  }
0x1d: {  	s23 =	simm.s32 $0x2100;
	v4 =	vperm.xlane v4, v2  }
0x1e: {  	[tilespmem:s23], [sflag:$0x1] =	stream.indirect_vreg.gather [hbm4b:s7+s4], $0x80, v5, vm0, $0xb8;
	[tilespmem:$0x18100] =	vst v63  }
0x1f: {  	s31 =	simm.s32 $0x2900;
	v4 =	vadd.s32 v1, v4  }
0x20: {  	[tilespmem:s31], [sflag:$0x1] =	stream.indirect_vreg.gather [hbm4b:s8+s4], $0x80, v5, vm0, $0xb8;
	[tilespmem:$0x18100] =	vst v63  }
0x21: {  	s11 =	simm.s32 $0x3100  }
0x22: {  	[tilespmem:s11], [sflag:$0x1] =	stream.indirect_vreg.gather [hbm4b:s9+s4], $0x80, v5, vm0, $0xb8;
	[tilespmem:$0x18100] =	vst v63  }
0x23: {  	s12 =	simm.s32 $0x3900  }
0x24: {  	[tilespmem:s12], [sflag:$0x1] =	stream.indirect_vreg.gather [hbm4b:s2+s4], $0x80, v4, vm0, $0xb8;
	[tilespmem:$0x18100] =	vst v63  }
0x25: {  	s13 =	simm.s32 $0x4100  }
0x26: {  	[tilespmem:s13], [sflag:$0x1] =	stream.indirect_vreg.gather [hbm4b:s7+s4], $0x80, v4, vm0, $0xb8;
	[tilespmem:$0x18100] =	vst v63  }
0x27: {  	s17 =	simm.s32 $0x4900  }
0x28: {  	[tilespmem:s17], [sflag:$0x1] =	stream.indirect_vreg.gather [hbm4b:s8+s4], $0x80, v4, vm0, $0xb8;
	[tilespmem:$0x18100] =	vst v63  }
0x29: {  	s19 =	simm.s32 $0x5100  }
0x2a: {  	[tilespmem:s19], [sflag:$0x1] =	stream.indirect_vreg.gather [hbm4b:s9+s4], $0x80, v4, vm0, $0xb8;
	[tilespmem:$0x18100] =	vst v63  }
0x2b: {  	v4 =	vld [tilespmem:$0x10];
	_ =	sdelay $0x4  }
0x2c: {  	v5 =	vshll.u32 v4, $0x3  }
0x2d: {  	v4 =	vand.u32 $0x7, v4;
	v5 =	vand.u32 $0xFFFFFFC0, v5  }
0x2e: {  	v4 =	vor.u32 v4, v5  }
0x2f: {  	v5 =	vperm.xlane v4, v0;
	_ =	sdelay $0x1  }
0x30: {  	v5 =	vadd.s32 v1, v5;
	_ =	sdelay $0x4  }
0x31: {  	[tilespmem:s21], [sflag:$0x1] =	stream.indirect_vreg.gather [hbm4b:s2+s4], $0x80, v5, vm0, $0xb8;
	[tilespmem:$0x18100] =	vst v63  }
0x32: {  	s23 =	simm.s32 $0x6100;
	v4 =	vperm.xlane v4, v2  }
0x33: {  	[tilespmem:s23], [sflag:$0x1] =	stream.indirect_vreg.gather [hbm4b:s7+s4], $0x80, v5, vm0, $0xb8;
	[tilespmem:$0x18100] =	vst v63  }
0x34: {  	s31 =	simm.s32 $0x6900;
	v4 =	vadd.s32 v1, v4  }
0x35: {  	[tilespmem:s31], [sflag:$0x1] =	stream.indirect_vreg.gather [hbm4b:s8+s4], $0x80, v5, vm0, $0xb8;
	[tilespmem:$0x18100] =	vst v63  }
0x36: {  	s11 =	simm.s32 $0x7100  }
0x37: {  	[tilespmem:s11], [sflag:$0x1] =	stream.indirect_vreg.gather [hbm4b:s9+s4], $0x80, v5, vm0, $0xb8;
	[tilespmem:$0x18100] =	vst v63  }
0x38: {  	_ = 	snop  }
0x39: {  	[tilespmem:s25], [sflag:$0x1] =	stream.indirect_vreg.gather [hbm4b:s2+s4], $0x80, v4, vm0, $0xb8;
	[tilespmem:$0x18100] =	vst v63  }
0x3a: {  	s12 =	simm.s32 $0x8100  }
0x3b: {  	[tilespmem:s12], [sflag:$0x1] =	stream.indirect_vreg.gather [hbm4b:s7+s4], $0x80, v4, vm0, $0xb8;
	[tilespmem:$0x18100] =	vst v63  }
0x3c: {  	s13 =	simm.s32 $0x8900  }
0x3d: {  	[tilespmem:s13], [sflag:$0x1] =	stream.indirect_vreg.gather [hbm4b:s8+s4], $0x80, v4, vm0, $0xb8;
	[tilespmem:$0x18100] =	vst v63  }
0x3e: {  	s17 =	simm.s32 $0x9100  }
0x3f: {  	[tilespmem:s17], [sflag:$0x1] =	stream.indirect_vreg.gather [hbm4b:s9+s4], $0x80, v4, vm0, $0xb8;
	[tilespmem:$0x18100] =	vst v63  }
0x40: {  	v4 =	vld.msk [tilespmem:$0x20], $0xff;
	_ =	sdelay $0x4  }
0x41: {  	v5 =	vshll.u32 v4, $0x3  }
0x42: {  	v4 =	vand.u32 $0x7, v4;
	v5 =	vand.u32 $0xFFFFFFC0, v5  }
0x43: {  	v4 =	vor.u32 v4, v5  }
0x44: {  	v4 =	vperm.xlane v4, v0;
	_ =	sdelay $0x1  }
0x45: {  	v4 =	vadd.s32 v1, v4;
	_ =	sdelay $0x4  }
0x46: {  	[tilespmem:s30], [sflag:$0x1] =	stream.indirect_vreg.gather [hbm4b:s2+s4], $0x80, v4, vm0, $0xb8;
	[tilespmem:$0x18100] =	vst v63  }
0x47: {  	s19 =	simm.s32 $0xA100  }
0x48: {  	[tilespmem:s19], [sflag:$0x1] =	stream.indirect_vreg.gather [hbm4b:s7+s4], $0x80, v4, vm0, $0xb8;
	[tilespmem:$0x18100] =	vst v63  }
0x49: {  	s23 =	simm.s32 $0xA900  }
0x4a: {  	[tilespmem:s23], [sflag:$0x1] =	stream.indirect_vreg.gather [hbm4b:s8+s4], $0x80, v4, vm0, $0xb8;
	[tilespmem:$0x18100] =	vst v63  }
0x4b: {  	s29 =	simm.s32 $0x0;
	s31 =	simm.s32 $0xB100  }
0x4c: {  	[tilespmem:s31], [sflag:$0x1] =	stream.indirect_vreg.gather [hbm4b:s9+s4], $0x80, v4, vm0, $0xb8;
	[tilespmem:$0x18100] =	vst v63  }
.LBB2_2:
0x4d: {  	p0 =	seq.s32 s29, $0x0  }
0x4e: {  	s0 =	simm.s32 @!p0 $0x4  }
0x4f: {  	_ =	swait.ge @!p0 [sflag:s0], $0x8C00  }
0x50: {  	[sflag:s0] =	ssyncset.done @!p0 $0x0  }
0x51: {  	s31 =	sshllo.u32 s29, $0x1;
	[sflag:s0] =	ssyncadd.s32 @!p0 $0xFFFF7400;
	s0 =	simm.s32 @!p0 $0x6  }
0x52: {  	s11 =	smul.u32 $0xA0, s31;
	_ =	swait.ge @!p0 [sflag:s0], $0x1400  }
0x53: {  	[sflag:s0] =	ssyncset.done @!p0 $0x0  }
0x54: {  	s11 =	sshra.s32 s11, $0x2;
	[sflag:s0] =	ssyncadd.s32 @!p0 $0xFFFFEC00  }
0x55: {  	v4 =	vld [tilespmem:s11+$0x0];
	_ =	sdelay $0x4  }
0x56: {  	v5 =	vshll.u32 v4, $0x3  }
0x57: {  	v4 =	vand.u32 $0x7, v4;
	v5 =	vand.u32 $0xFFFFFFC0, v5  }
0x58: {  	v4 =	vor.u32 v4, v5  }
0x59: {  	v5 =	vperm.xlane v4, v0;
	_ =	sdelay $0x1  }
0x5a: {  	v5 =	vadd.s32 v1, v5;
	_ =	sdelay $0x3  }
0x5b: {  	s0 =	simm.s32 $0x0  }
0x5c: {  	[tilespmem:s6], [sflag:$0x2] =	stream.indirect_vreg.gather [hbm4b:s2+s0], $0x80, v5, vm0, $0xb8;
	[tilespmem:$0x18100] =	vst v63  }
0x5d: {  	s12 =	simm.s32 $0xC100;
	v4 =	vperm.xlane v4, v2  }
0x5e: {  	[tilespmem:s12], [sflag:$0x2] =	stream.indirect_vreg.gather [hbm4b:s7+s0], $0x80, v5, vm0, $0xb8;
	[tilespmem:$0x18100] =	vst v63  }
0x5f: {  	s17 =	simm.s32 $0xC900;
	v4 =	vadd.s32 v1, v4  }
0x60: {  	[tilespmem:s17], [sflag:$0x2] =	stream.indirect_vreg.gather [hbm4b:s8+s0], $0x80, v5, vm0, $0xb8;
	[tilespmem:$0x18100] =	vst v63  }
0x61: {  	s19 =	simm.s32 $0xD100  }
0x62: {  	[tilespmem:s19], [sflag:$0x2] =	stream.indirect_vreg.gather [hbm4b:s9+s0], $0x80, v5, vm0, $0xb8;
	[tilespmem:$0x18100] =	vst v63  }
0x63: {  	_ = 	snop  }
0x64: {  	[tilespmem:s15], [sflag:$0x2] =	stream.indirect_vreg.gather [hbm4b:s2+s0], $0x80, v4, vm0, $0xb8;
	[tilespmem:$0x18100] =	vst v63  }
0x65: {  	s23 =	simm.s32 $0xE100  }
0x66: {  	[tilespmem:s23], [sflag:$0x2] =	stream.indirect_vreg.gather [hbm4b:s7+s0], $0x80, v4, vm0, $0xb8;
	[tilespmem:$0x18100] =	vst v63  }
0x67: {  	s13 =	simm.s32 $0xE900  }
0x68: {  	[tilespmem:s13], [sflag:$0x2] =	stream.indirect_vreg.gather [hbm4b:s8+s0], $0x80, v4, vm0, $0xb8;
	[tilespmem:$0x18100] =	vst v63  }
0x69: {  	s17 =	simm.s32 $0xF100  }
0x6a: {  	[tilespmem:s17], [sflag:$0x2] =	stream.indirect_vreg.gather [hbm4b:s9+s0], $0x80, v4, vm0, $0xb8;
	[tilespmem:$0x18100] =	vst v63  }
0x6b: {  	v4 =	vld [tilespmem:s11+$0x10];
	_ =	sdelay $0x4  }
0x6c: {  	v5 =	vshll.u32 v4, $0x3  }
0x6d: {  	v4 =	vand.u32 $0x7, v4;
	v5 =	vand.u32 $0xFFFFFFC0, v5  }
0x6e: {  	v4 =	vor.u32 v4, v5  }
0x6f: {  	v5 =	vperm.xlane v4, v0;
	_ =	sdelay $0x1  }
0x70: {  	v5 =	vadd.s32 v1, v5;
	_ =	sdelay $0x4  }
0x71: {  	[tilespmem:s20], [sflag:$0x2] =	stream.indirect_vreg.gather [hbm4b:s2+s0], $0x80, v5, vm0, $0xb8;
	[tilespmem:$0x18100] =	vst v63  }
0x72: {  	s19 =	simm.s32 $0x10100;
	v4 =	vperm.xlane v4, v2  }
0x73: {  	[tilespmem:s19], [sflag:$0x2] =	stream.indirect_vreg.gather [hbm4b:s7+s0], $0x80, v5, vm0, $0xb8;
	[tilespmem:$0x18100] =	vst v63  }
0x74: {  	s23 =	simm.s32 $0x10900;
	v4 =	vadd.s32 v1, v4  }
0x75: {  	[tilespmem:s23], [sflag:$0x2] =	stream.indirect_vreg.gather [hbm4b:s8+s0], $0x80, v5, vm0, $0xb8;
	[tilespmem:$0x18100] =	vst v63  }
0x76: {  	s13 =	simm.s32 $0x11100  }
0x77: {  	[tilespmem:s13], [sflag:$0x2] =	stream.indirect_vreg.gather [hbm4b:s9+s0], $0x80, v5, vm0, $0xb8;
	[tilespmem:$0x18100] =	vst v63  }
0x78: {  	_ = 	snop  }
0x79: {  	[tilespmem:s26], [sflag:$0x2] =	stream.indirect_vreg.gather [hbm4b:s2+s0], $0x80, v4, vm0, $0xb8;
	[tilespmem:$0x18100] =	vst v63  }
0x7a: {  	s17 =	simm.s32 $0x12100  }
0x7b: {  	[tilespmem:s17], [sflag:$0x2] =	stream.indirect_vreg.gather [hbm4b:s7+s0], $0x80, v4, vm0, $0xb8;
	[tilespmem:$0x18100] =	vst v63  }
0x7c: {  	s19 =	simm.s32 $0x12900  }
0x7d: {  	[tilespmem:s19], [sflag:$0x2] =	stream.indirect_vreg.gather [hbm4b:s8+s0], $0x80, v4, vm0, $0xb8;
	[tilespmem:$0x18100] =	vst v63  }
0x7e: {  	s23 =	simm.s32 $0x13100  }
0x7f: {  	[tilespmem:s23], [sflag:$0x2] =	stream.indirect_vreg.gather [hbm4b:s9+s0], $0x80, v4, vm0, $0xb8;
	[tilespmem:$0x18100] =	vst v63  }
0x80: {  	v4 =	vld.msk [tilespmem:s11+$0x20], $0xff;
	_ =	sdelay $0x4  }
0x81: {  	v5 =	vshll.u32 v4, $0x3  }
0x82: {  	v4 =	vand.u32 $0x7, v4;
	v5 =	vand.u32 $0xFFFFFFC0, v5  }
0x83: {  	v4 =	vor.u32 v4, v5  }
0x84: {  	v4 =	vperm.xlane v4, v0;
	_ =	sdelay $0x1  }
0x85: {  	v4 =	vadd.s32 v1, v4;
	_ =	sdelay $0x4  }
0x86: {  	[tilespmem:s1], [sflag:$0x2] =	stream.indirect_vreg.gather [hbm4b:s2+s0], $0x80, v4, vm0, $0xb8;
	[tilespmem:$0x18100] =	vst v63  }
0x87: {  	s12 =	simm.s32 $0x14100  }
0x88: {  	[tilespmem:s12], [sflag:$0x2] =	stream.indirect_vreg.gather [hbm4b:s7+s0], $0x80, v4, vm0, $0xb8;
	[tilespmem:$0x18100] =	vst v63  }
0x89: {  	s13 =	simm.s32 $0x14900  }
0x8a: {  	[tilespmem:s13], [sflag:$0x2] =	stream.indirect_vreg.gather [hbm4b:s8+s0], $0x80, v4, vm0, $0xb8;
	[tilespmem:$0x18100] =	vst v63  }
0x8b: {  	s17 =	smul.u32 $0x50, s29;
	s19 =	simm.s32 $0x15100  }
0x8c: {  	[tilespmem:s19], [sflag:$0x2] =	stream.indirect_vreg.gather [hbm4b:s9+s0], $0x80, v4, vm0, $0xb8;
	[tilespmem:$0x18100] =	vst v63  }
0x8d: {  	s11 =	sadd.s32 s3, s17;
	_ =	swait.ge [sflag:s14], $0xA000  }
0x8e: {  	s11 =	sshll.u32 s11, $0x7;
	[sflag:s14] =	ssyncset.done $0x0  }
0x8f: {  	s12 =	sadd.s32 s5, s11;
	s13 =	simm.s32 $0x1900;
	[sflag:s14] =	ssyncadd.s32 $0xFFFF6000  }
0x90: {  	[hbm4b:s12+s0] =	stream.linear.scatter [tilespmem:s13], [sflag:$0x3], $0x1C00, $0x38;
	[tilespmem:$0x18100] =	vst v63  }
0x91: {  	s17 =	simm.s32 $0x3900;
	s23 =	sadd.s32 $0x400, s12  }
0x92: {  	[hbm4b:s23+s0] =	stream.linear.scatter [tilespmem:s17], [sflag:$0x3], $0x1C00, $0x38;
	[tilespmem:$0x18100] =	vst v63  }
0x93: {  	s19 =	sadd.s32 $0x800, s12  }
0x94: {  	[hbm4b:s19+s0] =	stream.linear.scatter [tilespmem:s21], [sflag:$0x3], $0x1C00, $0x38;
	[tilespmem:$0x18100] =	vst v63  }
0x95: {  	s23 =	sadd.s32 $0xC00, s12  }
0x96: {  	[hbm4b:s23+s0] =	stream.linear.scatter [tilespmem:s25], [sflag:$0x3], $0x1C00, $0x38;
	[tilespmem:$0x18100] =	vst v63  }
0x97: {  	s13 =	sand.u32 $0x7, s0;
	s12 =	sadd.s32 $0x1000, s12  }
0x98: {  	[hbm4b:s12+s0] =	stream.linear.scatter [tilespmem:s30], [sflag:$0x3], $0x1C00, $0x38;
	[tilespmem:$0x18100] =	vst v63  }
0x99: {  	s12 =	sshll.u32 s13, $0x7  }
0x9a: {  	s13 =	sadd.s32 $0x0, s12  }
0x9b: {  	s12 =	sor.u32 $0x1C00, s13  }
0x9c: {  	v4 =	vld [tilespmem:s12+$0x1900];
	_ =	sdelay $0x3  }
0x9d: {  	s12 =	simm.s32 $0x15930  }
0x9e: {  	s19 =	sor.u32 $0x1C10, s13;
	[tilespmem:s12+$0xFFFFFFD0] =	vst v4  }
0x9f: {  	v4 =	vld [tilespmem:s19+$0x1900];
	_ =	sdelay $0x4  }
0xa0: {  	s17 =	sor.u32 $0x1C20, s13;
	[tilespmem:s12+$0xFFFFFFE0] =	vst v4  }
0xa1: {  	v4 =	vld [tilespmem:s17+$0x1900];
	_ =	sdelay $0x4  }
0xa2: {  	s23 =	sor.u32 $0x1C30, s13;
	[tilespmem:s12+$0xFFFFFFF0] =	vst v4  }
0xa3: {  	v4 =	vld [tilespmem:s23+$0x1900];
	_ =	sdelay $0x4  }
0xa4: {  	s17 =	sor.u32 $0x1C40, s13;
	[tilespmem:s12+$0x0] =	vst v4  }
0xa5: {  	v4 =	vld [tilespmem:s17+$0x1900];
	_ =	sdelay $0x4  }
0xa6: {  	s23 =	sor.u32 $0x1C50, s13;
	[tilespmem:s12+$0x10] =	vst v4  }
0xa7: {  	v4 =	vld [tilespmem:s23+$0x1900];
	_ =	sdelay $0x4  }
0xa8: {  	s13 =	sor.u32 $0x1C60, s13;
	[tilespmem:s12+$0x20] =	vst v4  }
0xa9: {  	v5 =	vld.msk [tilespmem:s13+$0x1900], $0xff;
	_ =	sdelay $0x3  }
0xaa: {  	s19 =	simm.s32 $0x1  }
0xab: {  	s23 =	simm.s32 $0x100;
	v4 =	vperm.xlane v4, v3;
	s13 =	sand.u32 $0x7, s19;
	v5 =	vperm.xlane v5, v3  }
.LBB2_3:
0xac: {  	p0 =	sne.s32 s23, $0x1380;
	s13 =	sshll.u32 s13, $0x7;
	s0 =	sadd.s32 $0x400, s0  }
0xad: {  	s13 =	sadd.s32 s13, s0;
	v4 =	vsel vm1, v4, v5  }
0xae: {  	s17 =	sor.u32 $0x1C00, s13;
	[tilespmem:s12+$0x28] =	vst v4  }
0xaf: {  	v4 =	vld [tilespmem:s17+$0x1900];
	_ =	sdelay $0x3  }
0xb0: {  	s12 =	sadd.s32 $0x80, s12  }
0xb1: {  	s17 =	sor.u32 $0x1C10, s13;
	[tilespmem:s12+$0xFFFFFFD0] =	vst v4  }
0xb2: {  	v4 =	vld [tilespmem:s17+$0x1900];
	_ =	sdelay $0x4  }
0xb3: {  	s17 =	sor.u32 $0x1C20, s13;
	[tilespmem:s12+$0xFFFFFFE0] =	vst v4  }
0xb4: {  	v4 =	vld [tilespmem:s17+$0x1900];
	_ =	sdelay $0x4  }
0xb5: {  	s17 =	sor.u32 $0x1C30, s13;
	[tilespmem:s12+$0xFFFFFFF0] =	vst v4  }
0xb6: {  	v4 =	vld [tilespmem:s17+$0x1900];
	_ =	sdelay $0x4  }
0xb7: {  	s17 =	sor.u32 $0x1C40, s13;
	[tilespmem:s12+$0x0] =	vst v4  }
0xb8: {  	v4 =	vld [tilespmem:s17+$0x1900];
	_ =	sdelay $0x4  }
0xb9: {  	s17 =	sor.u32 $0x1C50, s13;
	[tilespmem:s12+$0x10] =	vst v4  }
0xba: {  	v4 =	vld [tilespmem:s17+$0x1900];
	_ =	sdelay $0x4  }
0xbb: {  	s13 =	sor.u32 $0x1C60, s13;
	[tilespmem:s12+$0x20] =	vst v4;
	v4 =	vperm.xlane v4, v3  }
0xbc: {  	v5 =	vld.msk [tilespmem:s13+$0x1900], $0xff  }
.Ltmp0:
0xbd: {  	(pc) =	sbr.rel @p0 .LBB2_3-.Ltmp0, $3  }
0xbe: {  	_ =	sdelay $0x1  }
0xbf: {  	s19 =	sadd.s32 $0x1, s19  }
0xc0: {  	s23 =	sadd.s32 $0x80, s23;
	s13 =	sand.u32 $0x7, s19;
	v5 =	vperm.xlane v5, v3  }
0xc1: {  	s13 =	sshll.u32 s13, $0x7;
	s0 =	sadd.s32 $0x400, s0  }
0xc2: {  	s0 =	sadd.s32 s13, s0;
	v4 =	vsel vm1, v4, v5  }
0xc3: {  	s13 =	sor.u32 $0x1C00, s0;
	[tilespmem:s12+$0x28] =	vst v4  }
0xc4: {  	v4 =	vld [tilespmem:s13+$0x1900];
	_ =	sdelay $0x3  }
0xc5: {  	s12 =	sadd.s32 $0x80, s12  }
0xc6: {  	s23 =	sor.u32 $0x1C10, s0;
	[tilespmem:s12+$0xFFFFFFD0] =	vst v4  }
0xc7: {  	v4 =	vld [tilespmem:s23+$0x1900];
	_ =	sdelay $0x4  }
0xc8: {  	s17 =	sor.u32 $0x1C20, s0;
	[tilespmem:s12+$0xFFFFFFE0] =	vst v4  }
0xc9: {  	v4 =	vld [tilespmem:s17+$0x1900];
	_ =	sdelay $0x4  }
0xca: {  	s19 =	sor.u32 $0x1C30, s0;
	[tilespmem:s12+$0xFFFFFFF0] =	vst v4  }
0xcb: {  	v4 =	vld [tilespmem:s19+$0x1900];
	_ =	sdelay $0x4  }
0xcc: {  	s23 =	sor.u32 $0x1C40, s0;
	[tilespmem:s12+$0x0] =	vst v4  }
0xcd: {  	v4 =	vld [tilespmem:s23+$0x1900];
	_ =	sdelay $0x4  }
0xce: {  	s17 =	sor.u32 $0x1C50, s0;
	[tilespmem:s12+$0x10] =	vst v4  }
0xcf: {  	v4 =	vld [tilespmem:s17+$0x1900];
	_ =	sdelay $0x4  }
0xd0: {  	s0 =	sor.u32 $0x1C60, s0;
	[tilespmem:s12+$0x20] =	vst v4  }
0xd1: {  	v5 =	vld.msk [tilespmem:s0+$0x1900], $0xff;
	_ =	sdelay $0x3  }
0xd2: {  	p0 =	seq.s32 s29, $0x4F  }
.Ltmp1:
0xd3: {  	v4 =	vperm.xlane v4, v3;
	v5 =	vperm.xlane v5, v3;
	(pc) =	sbr.rel @p0 .LBB2_6-.Ltmp1, $4  }
0xd4: {  	_ = 	snop  }
0xd5: {  	v4 =	vsel vm1, v4, v5  }
0xd6: {  	s19 =	sadd.s32 s11, s10;
	s23 =	simm.s32 $0x15900;
	[tilespmem:s12+$0x28] =	vst v4  }
0xd7: {  	[hbm4b:s19+s16] =	stream.strided.scatter [tilespmem:s23], [sflag:$0x5], $0x1400, s18, s16, $0x38;
	[tilespmem:$0x18100] =	vst v63  }
0xd8: {  	_ =	swait.ge [sflag:s24], $0x8C00  }
0xd9: {  	[sflag:s24] =	ssyncset.done $0x0  }
0xda: {  	[sflag:s24] =	ssyncadd.s32 $0xFFFF7400  }
0xdb: {  	s0 =	smul.u32 $0x140, s29;
	_ =	swait.ge [sflag:s28], $0x1400  }
0xdc: {  	[sflag:s28] =	ssyncset.done $0x0  }
0xdd: {  	s0 =	sshra.s32 s0, $0x2;
	[sflag:s28] =	ssyncadd.s32 $0xFFFFEC00  }
0xde: {  	v4 =	vld [tilespmem:s0+$0x50];
	_ =	sdelay $0x4  }
0xdf: {  	v5 =	vshll.u32 v4, $0x3  }
0xe0: {  	v4 =	vand.u32 $0x7, v4;
	v5 =	vand.u32 $0xFFFFFFC0, v5  }
0xe1: {  	v4 =	vor.u32 v4, v5  }
0xe2: {  	v5 =	vperm.xlane v4, v0;
	_ =	sdelay $0x1  }
0xe3: {  	v5 =	vadd.s32 v1, v5;
	_ =	sdelay $0x3  }
0xe4: {  	s11 =	simm.s32 $0x1900  }
0xe5: {  	[tilespmem:s11], [sflag:$0x1] =	stream.indirect_vreg.gather [hbm4b:s2+s4], $0x80, v5, vm0, $0xb8;
	[tilespmem:$0x18100] =	vst v63  }
0xe6: {  	s23 =	simm.s32 $0x2100;
	v4 =	vperm.xlane v4, v2  }
0xe7: {  	[tilespmem:s23], [sflag:$0x1] =	stream.indirect_vreg.gather [hbm4b:s7+s4], $0x80, v5, vm0, $0xb8;
	[tilespmem:$0x18100] =	vst v63  }
0xe8: {  	s12 =	simm.s32 $0x2900;
	v4 =	vadd.s32 v1, v4  }
0xe9: {  	[tilespmem:s12], [sflag:$0x1] =	stream.indirect_vreg.gather [hbm4b:s8+s4], $0x80, v5, vm0, $0xb8;
	[tilespmem:$0x18100] =	vst v63  }
0xea: {  	s13 =	simm.s32 $0x3100  }
0xeb: {  	[tilespmem:s13], [sflag:$0x1] =	stream.indirect_vreg.gather [hbm4b:s9+s4], $0x80, v5, vm0, $0xb8;
	[tilespmem:$0x18100] =	vst v63  }
0xec: {  	s17 =	simm.s32 $0x3900  }
0xed: {  	[tilespmem:s17], [sflag:$0x1] =	stream.indirect_vreg.gather [hbm4b:s2+s4], $0x80, v4, vm0, $0xb8;
	[tilespmem:$0x18100] =	vst v63  }
0xee: {  	s19 =	simm.s32 $0x4100  }
0xef: {  	[tilespmem:s19], [sflag:$0x1] =	stream.indirect_vreg.gather [hbm4b:s7+s4], $0x80, v4, vm0, $0xb8;
	[tilespmem:$0x18100] =	vst v63  }
0xf0: {  	s23 =	simm.s32 $0x4900  }
0xf1: {  	[tilespmem:s23], [sflag:$0x1] =	stream.indirect_vreg.gather [hbm4b:s8+s4], $0x80, v4, vm0, $0xb8;
	[tilespmem:$0x18100] =	vst v63  }
0xf2: {  	s12 =	simm.s32 $0x5100  }
0xf3: {  	[tilespmem:s12], [sflag:$0x1] =	stream.indirect_vreg.gather [hbm4b:s9+s4], $0x80, v4, vm0, $0xb8;
	[tilespmem:$0x18100] =	vst v63  }
0xf4: {  	v4 =	vld [tilespmem:s0+$0x60];
	_ =	sdelay $0x4  }
0xf5: {  	v5 =	vshll.u32 v4, $0x3  }
0xf6: {  	v4 =	vand.u32 $0x7, v4;
	v5 =	vand.u32 $0xFFFFFFC0, v5  }
0xf7: {  	v4 =	vor.u32 v4, v5  }
0xf8: {  	v5 =	vperm.xlane v4, v0;
	_ =	sdelay $0x1  }
0xf9: {  	v5 =	vadd.s32 v1, v5;
	_ =	sdelay $0x4  }
0xfa: {  	[tilespmem:s21], [sflag:$0x1] =	stream.indirect_vreg.gather [hbm4b:s2+s4], $0x80, v5, vm0, $0xb8;
	[tilespmem:$0x18100] =	vst v63  }
0xfb: {  	s13 =	simm.s32 $0x6100;
	v4 =	vperm.xlane v4, v2  }
0xfc: {  	[tilespmem:s13], [sflag:$0x1] =	stream.indirect_vreg.gather [hbm4b:s7+s4], $0x80, v5, vm0, $0xb8;
	[tilespmem:$0x18100] =	vst v63  }
0xfd: {  	s17 =	simm.s32 $0x6900;
	v4 =	vadd.s32 v1, v4  }
0xfe: {  	[tilespmem:s17], [sflag:$0x1] =	stream.indirect_vreg.gather [hbm4b:s8+s4], $0x80, v5, vm0, $0xb8;
	[tilespmem:$0x18100] =	vst v63  }
0xff: {  	s19 =	simm.s32 $0x7100  }
0x100: {  	[tilespmem:s19], [sflag:$0x1] =	stream.indirect_vreg.gather [hbm4b:s9+s4], $0x80, v5, vm0, $0xb8;
	[tilespmem:$0x18100] =	vst v63  }
0x101: {  	_ = 	snop  }
0x102: {  	[tilespmem:s25], [sflag:$0x1] =	stream.indirect_vreg.gather [hbm4b:s2+s4], $0x80, v4, vm0, $0xb8;
	[tilespmem:$0x18100] =	vst v63  }
0x103: {  	s23 =	simm.s32 $0x8100  }
0x104: {  	[tilespmem:s23], [sflag:$0x1] =	stream.indirect_vreg.gather [hbm4b:s7+s4], $0x80, v4, vm0, $0xb8;
	[tilespmem:$0x18100] =	vst v63  }
0x105: {  	s12 =	simm.s32 $0x8900  }
0x106: {  	[tilespmem:s12], [sflag:$0x1] =	stream.indirect_vreg.gather [hbm4b:s8+s4], $0x80, v4, vm0, $0xb8;
	[tilespmem:$0x18100] =	vst v63  }
0x107: {  	s13 =	simm.s32 $0x9100  }
0x108: {  	[tilespmem:s13], [sflag:$0x1] =	stream.indirect_vreg.gather [hbm4b:s9+s4], $0x80, v4, vm0, $0xb8;
	[tilespmem:$0x18100] =	vst v63  }
0x109: {  	v4 =	vld.msk [tilespmem:s0+$0x70], $0xff;
	_ =	sdelay $0x4  }
0x10a: {  	v5 =	vshll.u32 v4, $0x3  }
0x10b: {  	v4 =	vand.u32 $0x7, v4;
	v5 =	vand.u32 $0xFFFFFFC0, v5  }
0x10c: {  	v4 =	vor.u32 v4, v5  }
0x10d: {  	v4 =	vperm.xlane v4, v0;
	_ =	sdelay $0x1  }
0x10e: {  	v4 =	vadd.s32 v1, v4;
	_ =	sdelay $0x4  }
0x10f: {  	[tilespmem:s30], [sflag:$0x1] =	stream.indirect_vreg.gather [hbm4b:s2+s4], $0x80, v4, vm0, $0xb8;
	[tilespmem:$0x18100] =	vst v63  }
0x110: {  	s17 =	simm.s32 $0xA100  }
0x111: {  	[tilespmem:s17], [sflag:$0x1] =	stream.indirect_vreg.gather [hbm4b:s7+s4], $0x80, v4, vm0, $0xb8;
	[tilespmem:$0x18100] =	vst v63  }
0x112: {  	s19 =	simm.s32 $0xA900  }
0x113: {  	[tilespmem:s19], [sflag:$0x1] =	stream.indirect_vreg.gather [hbm4b:s8+s4], $0x80, v4, vm0, $0xb8;
	[tilespmem:$0x18100] =	vst v63  }
0x114: {  	s23 =	simm.s32 $0xB100  }
0x115: {  	[tilespmem:s23], [sflag:$0x1] =	stream.indirect_vreg.gather [hbm4b:s9+s4], $0x80, v4, vm0, $0xb8;
	[tilespmem:$0x18100] =	vst v63  }
.LBB2_6:
0x116: {  	s0 =	smul.u32 $0x28, s31;
	_ =	sdelay $0x1  }
0x117: {  	_ =	swait.ge [sflag:s22], $0xA000;
	s0 =	sadd.s32 s3, s0  }
0x118: {  	[sflag:s22] =	ssyncset.done $0x0;
	s0 =	sshll.u32 s0, $0x7  }
0x119: {  	s11 =	simm.s32 $0x0;
	[sflag:s22] =	ssyncadd.s32 $0xFFFF6000;
	s12 =	sadd.s32 s5, s0  }
0x11a: {  	[hbm4b:s12+s11] =	stream.linear.scatter [tilespmem:s6], [sflag:$0x4], $0x1C00, $0x38;
	[tilespmem:$0x18100] =	vst v63  }
0x11b: {  	s13 =	sadd.s32 $0x400, s12  }
0x11c: {  	[hbm4b:s13+s11] =	stream.linear.scatter [tilespmem:s15], [sflag:$0x4], $0x1C00, $0x38;
	[tilespmem:$0x18100] =	vst v63  }
0x11d: {  	s17 =	sadd.s32 $0x800, s12  }
0x11e: {  	[hbm4b:s17+s11] =	stream.linear.scatter [tilespmem:s20], [sflag:$0x4], $0x1C00, $0x38;
	[tilespmem:$0x18100] =	vst v63  }
0x11f: {  	s19 =	sadd.s32 $0xC00, s12  }
0x120: {  	[hbm4b:s19+s11] =	stream.linear.scatter [tilespmem:s26], [sflag:$0x4], $0x1C00, $0x38;
	[tilespmem:$0x18100] =	vst v63  }
0x121: {  	s23 =	sand.u32 $0x7, s11;
	s12 =	sadd.s32 $0x1000, s12  }
0x122: {  	[hbm4b:s12+s11] =	stream.linear.scatter [tilespmem:s1], [sflag:$0x4], $0x1C00, $0x38;
	[tilespmem:$0x18100] =	vst v63  }
0x123: {  	s12 =	sshll.u32 s23, $0x7  }
0x124: {  	s13 =	sadd.s32 $0x0, s12  }
0x125: {  	s12 =	sor.u32 $0x1C00, s13  }
0x126: {  	v4 =	vld [tilespmem:s12+$0xB900];
	_ =	sdelay $0x3  }
0x127: {  	s12 =	simm.s32 $0x16D30  }
0x128: {  	s17 =	sor.u32 $0x1C10, s13;
	[tilespmem:s12+$0xFFFFFFD0] =	vst v4  }
0x129: {  	v4 =	vld [tilespmem:s17+$0xB900];
	_ =	sdelay $0x4  }
0x12a: {  	s31 =	sor.u32 $0x1C20, s13;
	[tilespmem:s12+$0xFFFFFFE0] =	vst v4  }
0x12b: {  	v4 =	vld [tilespmem:s31+$0xB900];
	_ =	sdelay $0x4  }
0x12c: {  	s19 =	sor.u32 $0x1C30, s13;
	[tilespmem:s12+$0xFFFFFFF0] =	vst v4  }
0x12d: {  	v4 =	vld [tilespmem:s19+$0xB900];
	_ =	sdelay $0x4  }
0x12e: {  	s23 =	sor.u32 $0x1C40, s13;
	[tilespmem:s12+$0x0] =	vst v4  }
0x12f: {  	v4 =	vld [tilespmem:s23+$0xB900];
	_ =	sdelay $0x4  }
0x130: {  	s31 =	sor.u32 $0x1C50, s13;
	[tilespmem:s12+$0x10] =	vst v4  }
0x131: {  	v4 =	vld [tilespmem:s31+$0xB900];
	_ =	sdelay $0x4  }
0x132: {  	s13 =	sor.u32 $0x1C60, s13;
	[tilespmem:s12+$0x20] =	vst v4  }
0x133: {  	v5 =	vld.msk [tilespmem:s13+$0xB900], $0xff;
	_ =	sdelay $0x3  }
0x134: {  	s19 =	simm.s32 $0x1  }
0x135: {  	s23 =	simm.s32 $0x100;
	v4 =	vperm.xlane v4, v3;
	s13 =	sand.u32 $0x7, s19;
	v5 =	vperm.xlane v5, v3  }
.LBB2_7:
0x136: {  	p0 =	sne.s32 s23, $0x1380;
	s13 =	sshll.u32 s13, $0x7;
	s11 =	sadd.s32 $0x400, s11  }
0x137: {  	s13 =	sadd.s32 s13, s11;
	v4 =	vsel vm1, v4, v5  }
0x138: {  	s17 =	sor.u32 $0x1C00, s13;
	[tilespmem:s12+$0x28] =	vst v4  }
0x139: {  	v4 =	vld [tilespmem:s17+$0xB900];
	_ =	sdelay $0x3  }
0x13a: {  	s12 =	sadd.s32 $0x80, s12  }
0x13b: {  	s17 =	sor.u32 $0x1C10, s13;
	[tilespmem:s12+$0xFFFFFFD0] =	vst v4  }
0x13c: {  	v4 =	vld [tilespmem:s17+$0xB900];
	_ =	sdelay $0x4  }
0x13d: {  	s17 =	sor.u32 $0x1C20, s13;
	[tilespmem:s12+$0xFFFFFFE0] =	vst v4  }
0x13e: {  	v4 =	vld [tilespmem:s17+$0xB900];
	_ =	sdelay $0x4  }
0x13f: {  	s17 =	sor.u32 $0x1C30, s13;
	[tilespmem:s12+$0xFFFFFFF0] =	vst v4  }
0x140: {  	v4 =	vld [tilespmem:s17+$0xB900];
	_ =	sdelay $0x4  }
0x141: {  	s17 =	sor.u32 $0x1C40, s13;
	[tilespmem:s12+$0x0] =	vst v4  }
0x142: {  	v4 =	vld [tilespmem:s17+$0xB900];
	_ =	sdelay $0x4  }
0x143: {  	s17 =	sor.u32 $0x1C50, s13;
	[tilespmem:s12+$0x10] =	vst v4  }
0x144: {  	v4 =	vld [tilespmem:s17+$0xB900];
	_ =	sdelay $0x4  }
0x145: {  	s13 =	sor.u32 $0x1C60, s13;
	[tilespmem:s12+$0x20] =	vst v4;
	v4 =	vperm.xlane v4, v3  }
0x146: {  	v5 =	vld.msk [tilespmem:s13+$0xB900], $0xff  }
.Ltmp2:
0x147: {  	(pc) =	sbr.rel @p0 .LBB2_7-.Ltmp2, $3  }
0x148: {  	_ =	sdelay $0x1  }
0x149: {  	s19 =	sadd.s32 $0x1, s19  }
0x14a: {  	s23 =	sadd.s32 $0x80, s23;
	s13 =	sand.u32 $0x7, s19;
	v5 =	vperm.xlane v5, v3  }
0x14b: {  	s13 =	sshll.u32 s13, $0x7;
	s11 =	sadd.s32 $0x400, s11  }
0x14c: {  	s11 =	sadd.s32 s13, s11;
	v4 =	vsel vm1, v4, v5  }
0x14d: {  	s13 =	sor.u32 $0x1C00, s11;
	[tilespmem:s12+$0x28] =	vst v4  }
0x14e: {  	v4 =	vld [tilespmem:s13+$0xB900];
	_ =	sdelay $0x3  }
0x14f: {  	s12 =	sadd.s32 $0x80, s12  }
0x150: {  	s23 =	sor.u32 $0x1C10, s11;
	[tilespmem:s12+$0xFFFFFFD0] =	vst v4  }
0x151: {  	v4 =	vld [tilespmem:s23+$0xB900];
	_ =	sdelay $0x4  }
0x152: {  	s31 =	sor.u32 $0x1C20, s11;
	[tilespmem:s12+$0xFFFFFFE0] =	vst v4  }
0x153: {  	v4 =	vld [tilespmem:s31+$0xB900];
	_ =	sdelay $0x4  }
0x154: {  	s17 =	sor.u32 $0x1C30, s11;
	[tilespmem:s12+$0xFFFFFFF0] =	vst v4  }
0x155: {  	v4 =	vld [tilespmem:s17+$0xB900];
	_ =	sdelay $0x4  }
0x156: {  	s19 =	sor.u32 $0x1C40, s11;
	[tilespmem:s12+$0x0] =	vst v4  }
0x157: {  	v4 =	vld [tilespmem:s19+$0xB900];
	_ =	sdelay $0x4  }
0x158: {  	s23 =	sor.u32 $0x1C50, s11;
	[tilespmem:s12+$0x10] =	vst v4  }
0x159: {  	v4 =	vld [tilespmem:s23+$0xB900];
	_ =	sdelay $0x4  }
0x15a: {  	s11 =	sor.u32 $0x1C60, s11;
	[tilespmem:s12+$0x20] =	vst v4  }
0x15b: {  	v5 =	vld.msk [tilespmem:s11+$0xB900], $0xff;
	_ =	sdelay $0x2  }
0x15c: {  	s29 =	sadd.s32 $0x1, s29  }
0x15d: {  	p0 =	sne.s32 s29, $0x50  }
.Ltmp3:
0x15e: {  	v4 =	vperm.xlane v4, v3;
	v5 =	vperm.xlane v5, v3;
	(pc) =	sbr.rel @p0 .LBB2_2-.Ltmp3, $4  }
0x15f: {  	_ = 	snop  }
0x160: {  	v4 =	vsel vm1, v4, v5  }
0x161: {  	s0 =	sadd.s32 s0, s10;
	s31 =	simm.s32 $0x16D00;
	[tilespmem:s12+$0x28] =	vst v4  }
0x162: {  	[hbm4b:s0+s16] =	stream.strided.scatter [tilespmem:s31], [sflag:$0x6], $0x1400, s18, s16, $0x38;
	[tilespmem:$0x18100] =	vst v63  }
0x163: {  	_ =	swait.ge [sflag:s24], $0x8C00  }
0x164: {  	[sflag:s24] =	ssyncset.done $0x0  }
0x165: {  	[sflag:s24] =	ssyncadd.s32 $0xFFFF7400  }
0x166: {  	_ =	swait.ge [sflag:s28], $0x1400  }
0x167: {  	[sflag:s28] =	ssyncset.done $0x0  }
0x168: {  	s0 =	simm.s32 $0x4;
	[sflag:s28] =	ssyncadd.s32 $0xFFFFEC00  }
0x169: {  	_ =	swait.ge [sflag:s0], $0x8C00  }
0x16a: {  	[sflag:s0] =	ssyncset.done $0x0  }
0x16b: {  	s11 =	simm.s32 $0x6;
	[sflag:s0] =	ssyncadd.s32 $0xFFFF7400  }
0x16c: {  	_ =	swait.ge [sflag:s11], $0x1400  }
0x16d: {  	s12 =	rddreg [dreg:$0x5]  }
0x16e: {  	s31 =	rddreg [dreg:$0x4];
	s12 =	sadd.s32 $0x1, s12  }
0x16f: {  	p0 =	sne.s32 s12, s31  }
.Ltmp4:
0x170: {  	_ = 	snop;
	(pc) =	sbr.rel @p0 .LBB2_1-.Ltmp4, $3  }
0x171: {  	_ =	sdelay $0x1  }
0x172: {  	[sflag:s11] =	ssyncset.done $0x0  }
0x173: {  	[sflag:s11] =	ssyncadd.s32 $0xFFFFEC00  }
0x174: {  	_ =	sfence.sel $0x180000  }
0x175: {  	[bflag:$0x0] =	sbarrier.arrive $0xFFFF  }
0x176: {  	_ =	strace $0x90000047  }
0x177: {  	s0 =	stileid.u32;
	[bflag:$0x2] =	sbarrier.arrive $0xFFFF  }
0x178: {  	p0 =	sne.s32 s0, $0x0;
	s0 =	rddreg [dreg:$0x2]  }
0x179: {  	s0 =	sadd.s32 @!p0 $0x100000, s0  }
0x17a: {  	[sflag:s0] =	ssyncadd.tile.s32 @!p0 $0x1;
	_ =	shalt  }
.Lfunc_end2:
_tile_overlayer_lowered:
.L_overlay_start_2:
0x17b: {  	(tag) =	ssettag $0x2  }
0x17c: {  	s0 =	rddreg [dreg:$0x0];
	s2 =	stileid.u32  }
0x17d: {  	s1 =	rddreg [dreg:$0x1];
	p0 =	sne.s32 s2, $0x0  }
0x17e: {  	s3 =	rddreg [dreg:$0x2];
	[bflag:$0x3] =	sbarrier.arrive $0xFFFF;
	s2 =	simm.s32 @!p0 $0x1C07  }
0x17f: {  	[timem:s3], [sflag:s2] =	dma.local @!p0 [hbm:s0], s1  }
0x180: {  	s0 =	simm.s32 @!p0 $0x7  }
0x181: {  	_ =	swait.ge @!p0 [sflag:s0], s1  }
0x182: {  	s1 =	ssub.s32 @!p0 $0x0, s1;
	[sflag:s0] =	ssyncset.done @!p0 $0x0  }
0x183: {  	[sflag:s0] =	ssyncadd.s32 @!p0 s1  }
0x184: {  	[bflag:$0x3] =	sbarrier.arrive $0xFFFF  }
0x185: {  	_ =	shalt  }

// kernel: sparse-core-data-format-call.cloned.1.call-start
scs
called_computation_lowered:
.L_overlay_start_0:
0x0: {  	s2 =	sld [smem:$0x3FD9]  }
0x1: {  	s3 =	sld [smem:$0x3FFE];
	_ =	sdelay $0x1  }
0x2: {  	s1 =	srdreg.scid  }
0x3: {  	s0 =	sand.u32 $0x1, s1  }
0x4: {  	s18 =	sshll.u32 s0, $0xA;
	s2 =	sadd.s32 s3, s2  }
0x5: {  	s2 =	sadd.s32 s2, s18  }
0x6: {  	[smem:$0x3FC6] =	sst s2  }
0x7: {  	_ = 	snop  }
0x8: {  	s2 =	sld [smem:$0x3FD0];
	(tm) =	ssettm $0x1  }
0x9: {  	s19 =	sld [smem:$0x3FFB];
	_ =	sdelay $0x3  }
0xa: {  	_ =	strace s19  }
0xb: {  	s3 =	sld [smem:$0x3FFC];
	_ =	sdelay $0x3  }
0xc: {  	_ =	strace s3  }
0xd: {  	s3 =	sld [smem:$0x3FFD];
	_ =	sdelay $0x3  }
0xe: {  	_ =	strace s3  }
0xf: {  	_ =	strace $0x8FFFFFFF  }
0x10: {  	s20 =	sld [smem:$0x3FDB];
	_ =	sdelay $0x1  }
0x11: {  	s4 =	simm.s32 $_scs_section_size  }
0x12: {  	s5 =	simm.s32 $_size__tile_overlayer_lowered;
	s6 =	simm.s32 $_tile_overlayer_lowered  }
0x13: {  	s23 =	simm.s32 $0x1BFF;
	s22 =	sshll.u32 s6, $0x1;
	s3 =	sadd.s32 s4, s20  }
0x14: {  	s7 =	simm.s32 $0x0;
	s21 =	sshll.u32 s5, $0x1;
	s5 =	sadd.s32 s22, s3  }
0x15: {  	[timem:s7], [sflag:s23] =	dma.local [hbm:s5], s21  }
0x16: {  	_ =	swait.ge [sflag:s23], s21  }
0x17: {  	s4 =	ssub.s32 $0x0, s21;
	[sflag:s23] =	ssyncset.done $0x0  }
0x18: {  	[sflag:s23] =	ssyncadd.s32 s4;
	_ =	sdelay $0x1  }
0x19: {  	s24 =	simm.s32 $0x1B8B  }
0x1a: {  	_ =	swait.ge [sflag:s24], $0x1  }
0x1b: {  	[sflag:s24] =	ssyncset.done $0x0  }
0x1c: {  	s26 =	simm.s32 $0x1B8E;
	s25 =	sld [smem:$0x3FFE];
	[sflag:s24] =	ssyncadd.s32 $0xFFFFFFFF  }
0x1d: {  	s27 =	simm.s32 $execute0_lowered;
	[smem:$0x3FD2] =	sst s26  }
0x1e: {  	s5 =	sshll.u32 s27, $0x1;
	_ =	strace $0x80000049;
	[dreg:$0x1] =	wrdreg $0xFFFFFFFF  }
0x1f: {  	s28 =	simm.s32 $_size_execute0_lowered;
	s3 =	sadd.s32 s3, s5;
	[dreg:$0x0] =	wrdreg $0x0  }
0x20: {  	s5 =	sshll.u32 s28, $0x1;
	[dreg:$0x2] =	wrdreg s3  }
0x21: {  	[dreg:$0x3] =	wrdreg s5  }
0x22: {  	[dreg:$0x4] =	wrdreg $0xC0  }
0x23: {  	_ =	task [dreg:s7], $0x5FFFF  }
0x24: {  	[dreg:$0x1] =	wrdreg $0xFFFFFFFF  }
0x25: {  	[dreg:$0x0] =	wrdreg $0x60  }
0x26: {  	[dreg:$0x2] =	wrdreg s25  }
0x27: {  	[dreg:$0x3] =	wrdreg s2  }
0x28: {  	[dreg:$0x4] =	wrdreg $0x9  }
0x29: {  	_ =	task.clear_ibuf [dreg:s7], $0x5FFFF;
	_ =	strace $0x90000049  }
0x2a: {  	s29 =	simm.s32 $0x9;
	_ =	strace $0x8000004B  }
0x2b: {  	_ =	swait.ge [sflag:s29], $0x1  }
0x2c: {  	[sflag:s29] =	ssyncadd.s32 $0xFFFFFFFF  }
0x2d: {  	_ =	strace $0x9000004B  }
0x2e: {  	_ =	sfence  }
0x2f: {  	s30 =	sld [smem:$0x0];
	_ =	sdelay $0x2  }
0x30: {  	s31 =	sshll.u32 s1, $0xD;
	s1 =	sshrl.u32 s1, $0x2  }
0x31: {  	s3 =	sand.u32 $0x4000, s31;
	s1 =	sadd.s32 s1, s30  }
0x32: {  	s0 =	sor.u32 s3, s0;
	s1 =	sshll.u32 s1, $0x11  }
0x33: {  	s0 =	sor.u32 s1, s0  }
0x34: {  	s0 =	sadd.s32 $0x8F2B, s0  }
0x35: {  	[sflag:s0] =	ssyncadd.remote.s32 $0x1  }
0x36: {  	_ =	sfence.sel $0xFFFF  }
0x37: {  	[dreg:$0x0] =	wrdreg $0xFFFFFFFF;
	(pc) =	sbr.abs _section_cstart, $3  }
0x38: {  	[dreg:$0x1] =	wrdreg $0xFFFFFFFF  }
0x39: {  	_ =	task.clear_ibuf [dreg:s7], $0x2FFFF;
	_ =	strace $0x9FFFFFFF  }
0x3a: {  	(tm) =	ssettm $0x7FFFFFFF  }
0x3b: {  	_ =	shalt  }
tec
execute0_lowered:
.L_overlay_start_1:
0x0: {  	(tag) =	ssettag $0x1  }
0x1: {  	s4 =	rddreg [dreg:$0x0]  }
0x2: {  	s0 =	stileid.u32;
	s2 =	rddreg [dreg:$0x1]  }
0x3: {  	s7 =	srdreg.scid;
	s31 =	simm.s32 $0x2;
	s17 =	simm.s32 $0x0  }
0x4: {  	s9 =	simm.s32 $0x2000;
	s19 =	simm.s32 $0x0;
	s18 =	simm.s32 $0x0  }
0x5: {  	s10 =	simm.s32 $0x0;
	s11 =	simm.s32 $0x0;
	s1 =	sshll.u32 s0, $0x7  }
0x6: {  	s12 =	simm.s32 $0x0;
	s14 =	simm.s32 $0x0;
	s3 =	sand.u32 $0x380, s1  }
0x7: {  	s16 =	simm.s32 $0x0;
	s4 =	sadd.s32 $0x6C00, s4;
	s5 =	ssub.s32 $0x400, s3  }
0x8: {  	s8 =	sshll.u32 s0, $0x4;
	s7 =	sshll.u32 s7, $0x8;
	s6 =	sand.u32 $0x380, s5  }
0x9: {  	s1 =	rddreg [dreg:$0x2];
	p0 =	sne.s32 s6, $0x0;
	s6 =	simm.s32 $0x1  }
.Ltmp0:
0xa: {  	s5 =	sshrl.u32 s5, $0xA;
	s6 =	simm.s32 @!p0 $0x0;
	(pc) =	sbr.rel .LBB1_1-.Ltmp0, $4  }
0xb: {  	_ =	strace $0x8000004A;
	s7 =	sor.u32 s8, s7;
	s6 =	sadd.s32 s6, s5  }
0xc: {  	s7 =	sand.u32 $0x180, s7;
	s5 =	simm.s32 $0x1;
	s6 =	smul.u32 $0x190, s6  }
0xd: {  	s15 =	smov.u32 s3;
	s13 =	smov.u32 s7;
	[sflag:s5] =	ssyncpa.u1 $0x0  }
0xe: {  	p0 =	por $0x0, $0x0;
	[sflag:s31] =	ssyncpa.u1 $0x0;
	s8 =	sor.u32 $0x1, s6  }
.LBB1_4:
0xf: {  	s25 =	sshll.u32 s10, $0xA;
	s24 =	sshra.s32 s24, $0x2;
	s26 =	sshll.u32 s12, $0x3  }
0x10: {  	p1 =	sgt.s32 s11, $0xC7;
	s27 =	smov.u32 s11;
	s28 =	sshra.s32 s11, $0x1F  }
0x11: {  	p2 =	sgt.s32 s12, $0x380;
	s31 =	sshra.s32 s12, $0x1F;
	s25 =	sand.u32 $0xFFFFE000, s25  }
0x12: {  	s26 =	sand.u32 $0xFFFFFC00, s26;
	s27 =	simm.s32 @!p1 $0xC7;
	s28 =	sand.u32 s28, s11  }
0x13: {  	[tilespmem:s22+$0x2040 ss:$0x81] =	vst.msk $0xffff, v4;
	s23 =	sadd.s32 s24, s23;
	s29 =	sadd.s32 s26, s25;
	s25 =	ssub.s32 s27, s28  }
0x14: {  	[tilespmem:s22+$0x2850 ss:$0x81] =	vst.msk $0xffff, v3;
	s27 =	smov.u32 s12;
	s28 =	smov.u32 s10;
	s26 =	sand.u32 s31, s12  }
0x15: {  	[tilespmem:s22+$0x3060 ss:$0x81] =	vst.msk $0xffff, v2;
	s24 =	sshrl.u32 s29, $0xA;
	s30 =	sadd.s32 $0xFFFFFF39, s25;
	s27 =	simm.s32 @!p2 $0x380  }
0x16: {  	v5 =	vld [tilespmem:s21+$0xFFFFFFD0];
	[tilespmem:s22+$0x0 ss:$0x81] =	vst.msk $0xffff, v1;
	p2 =	sgt.s32 s10, $0x368;
	s29 =	sshra.s32 s10, $0x1F;
	s22 =	ssub.s32 $0xC8, s25  }
0x17: {  	v58 =	vld [tilespmem:s21+$0xFFFFFFE0];
	p1 =	sgt.s32 s30, $0x0;
	s28 =	simm.s32 @!p2 $0x368;
	s29 =	sand.u32 s29, s10  }
0x18: {  	v59 =	vld [tilespmem:s21+$0xFFFFFFF0];
	s26 =	ssub.s32 s27, s26;
	s27 =	smulhi.u32 $0x418938, s24;
	s28 =	ssub.s32 s28, s29  }
0x19: {  	v60 =	vld [tilespmem:s21+$0x0];
	s30 =	sadd.s32 $0xFFFFFC80, s26;
	s25 =	ssub.s32 $0x400, s26;
	s22 =	simm.s32 @p1 $0x0  }
0x1a: {  	v61 =	vld [tilespmem:s21+$0x10];
	[tilespmem:s23+$0x3870 ss:$0x81] =	vst.msk $0xffff, v0;
	s29 =	sand.u32 $0x78, s12;
	p2 =	sgt.s32 s30, $0x7F;
	s31 =	sadd.s32 $0xFFFFFC98, s28  }
0x1b: {  	v62 =	vld [tilespmem:s21+$0x20];
	[tilespmem:s23+$0x810 ss:$0x81] =	vst.msk $0xffff, v5;
	s27 =	smul.u32 $0x3E8, s27;
	s30 =	sshll.u32 s10, $0x7;
	s28 =	ssub.s32 $0x3E8, s28  }
0x1c: {  	v63 =	vld [tilespmem:s21+$0xFFFFFFC0];
	[tilespmem:s23+$0x1020 ss:$0x81] =	vst.msk $0xffff, v58;
	s25 =	simm.s32 @p2 $0x0;
	p1 =	sgt.s32 s31, $0x7F;
	s31 =	smul.u32 $0x1F400, s11  }
0x1d: {  	[tilespmem:s23+$0x1830 ss:$0x81] =	vst.msk $0xffff, v59;
	s21 =	sand.u32 $0x380, s30;
	s22 =	smul.u32 s25, s22;
	s28 =	simm.s32 @p1 $0x0  }
0x1e: {  	[tilespmem:s23+$0x2040 ss:$0x81] =	vst.msk $0xffff, v60;
	s21 =	sor.u32 s29, s21;
	s24 =	ssub.s32 s24, s27;
	s29 =	sand.u32 $0x7, s12  }
0x1f: {  	[tilespmem:s23+$0x2850 ss:$0x81] =	vst.msk $0xffff, v61;
	s21 =	sshrl.u32 s21, $0x3;
	s25 =	sadd.s32 s2, s31;
	s22 =	smul.u32 s28, s22  }
0x20: {  	[tilespmem:s23+$0x3060 ss:$0x81] =	vst.msk $0xffff, v62;
	s24 =	sshll.u32 s24, $0x7;
	s30 =	sshll.u32 s29, $0x12;
	s21 =	sadd.s32 s21, s25  }
0x21: {  	[tilespmem:s23+$0x0 ss:$0x81] =	vst.msk $0xffff, v63;
	s31 =	sor.u32 $0x400, s30;
	s21 =	sadd.s32 s24, s21;
	s22 =	sand.u32 $0x3FFFFFFF, s22  }
0x22: {  	[hbm4b:s21+s31] =	stream.strided.scatter [tilespmem:s20], [sflag:$0x2], s22, s9, s31, $0x20;
	[tilespmem:$0x10100] =	vst v63  }
.LBB1_5:
0x23: {  	p1 =	slt.u32 s16, $0x2  }
0x24: {  	p2 =	sgt.s32 @!p1 s19, $0xC7  }
0x25: {  	s20 =	smov.u32 s19;
	s21 =	sshra.s32 @!p1 s19, $0x1F;
	p2 =	por !p2, p1  }
0x26: {  	s19 =	sand.u32 @!p1 s21, s19;
	s20 =	simm.s32 @p2 $0xC7  }
0x27: {  	p3 =	sgt.s32 @!p1 s17, $0x368;
	s19 =	ssub.s32 @!p1 s20, s19  }
0x28: {  	p4 =	sgt.s32 @!p1 s18, $0x380;
	s22 =	sshra.s32 @!p1 s18, $0x1F;
	s20 =	sadd.s32 @!p1 $0xFFFFFF39, s19  }
0x29: {  	s21 =	smov.u32 s17;
	p2 =	sgt.s32 @!p1 s20, $0x0;
	s20 =	sshra.s32 @!p1 s17, $0x1F  }
0x2a: {  	p4 =	por !p4, p1;
	s17 =	sand.u32 @!p1 s20, s17;
	s20 =	smov.u32 s18  }
0x2b: {  	p3 =	por !p3, p1;
	s18 =	sand.u32 @!p1 s22, s18;
	s20 =	simm.s32 @p4 $0x380  }
0x2c: {  	s21 =	simm.s32 @p3 $0x368;
	s19 =	ssub.s32 @!p1 $0xC8, s19;
	s18 =	ssub.s32 @!p1 s20, s18  }
0x2d: {  	p2 =	por !p2, p1;
	s17 =	ssub.s32 @!p1 s21, s17;
	s21 =	sadd.s32 @!p1 $0xFFFFFC80, s18  }
0x2e: {  	s19 =	simm.s32 @!p2 $0x0;
	p3 =	sgt.s32 @!p1 s21, $0x7F  }
0x2f: {  	s20 =	sadd.s32 @!p1 $0xFFFFFC98, s17;
	s18 =	ssub.s32 @!p1 $0x400, s18;
	p3 =	por !p3, p1  }
0x30: {  	p2 =	sgt.s32 @!p1 s20, $0x7F;
	s20 =	sadd.s32 $0x200, s13;
	s18 =	simm.s32 @!p3 $0x0  }
0x31: {  	p3 =	sgt.s32 s20, $0x3E7;
	s18 =	smul.u32 @!p1 s18, s19;
	s19 =	simm.s32 $0x1  }
0x32: {  	s17 =	ssub.s32 @!p1 $0x3E8, s17;
	p2 =	por !p2, p1;
	s19 =	simm.s32 @!p3 $0x0  }
0x33: {  	s22 =	smov.u32 s15;
	s17 =	simm.s32 @!p2 $0x0;
	s21 =	sadd.s32 s19, s14  }
0x34: {  	s17 =	smul.u32 @!p1 s17, s18;
	s18 =	sadd.s32 $0x400, s15;
	p2 =	sgt.s32 s21, $0xC7  }
0x35: {  	p0 =	por !p0, !p0;
	s23 =	simm.s32 @!p1 $0x2;
	s22 =	smov.u32 @p2 s18  }
0x36: {  	s20 =	smov.u32 @p3 s7;
	s21 =	simm.s32 @p2 $0x0;
	p2 =	sgt.s32 s22, $0x3FF  }
0x37: {  	s19 =	smov.u32 s11;
	s22 =	smov.u32 @p2 s3;
	p2 =	sne.s32 s16, s8  }
.Ltmp1:
0x38: {  	s11 =	smov.u32 s14;
	s17 =	sand.u32 @!p1 $0x3FFFFFFF, s17;
	(pc) =	sbr.rel @!p2 .LBB1_6-.Ltmp1, $4  }
0x39: {  	s18 =	smov.u32 s12;
	s12 =	smov.u32 s15;
	_ =	swait.ge @!p1 [sflag:s23], s17  }
0x3a: {  	s24 =	ssub.s32 @!p1 $0x0, s17;
	s17 =	smov.u32 s10;
	s10 =	smov.u32 s13  }
0x3b: {  	s13 =	smov.u32 s20;
	s14 =	smov.u32 s21;
	[sflag:s23] =	ssyncset.done @!p1 $0x0  }
0x3c: {  	s16 =	sadd.s32 $0x1, s16;
	[sflag:s23] =	ssyncadd.s32 @!p1 s24;
	s15 =	smov.u32 s22  }
.LBB1_1:
0x3d: {  	p1 =	sge.u32 s16, s6  }
0x3e: {  	s20 =	sshll.u32 @!p1 s14, $0xA  }
0x3f: {  	s21 =	sshll.u32 @!p1 s13, $0x3;
	s20 =	sand.u32 @!p1 $0xFFFFE000, s20  }
0x40: {  	s20 =	sadd.s32 @!p1 s20, s21  }
0x41: {  	s20 =	sshrl.u32 @!p1 s20, $0xA  }
0x42: {  	s21 =	smulhi.u32 @!p1 $0x147AE15, s20  }
0x43: {  	s22 =	sshll.u32 @!p1 s14, $0x7;
	s24 =	smul.u32 @!p1 $0x6400, s15  }
0x44: {  	s23 =	sand.u32 @!p1 $0x78, s13;
	s22 =	sand.u32 @!p1 $0x380, s22;
	s21 =	smul.u32 @!p1 $0xC8, s21  }
0x45: {  	s31 =	sadd.s32 $0xFFFFFFFF, s16;
	s22 =	sor.u32 @!p1 s23, s22;
	s23 =	sadd.s32 @!p1 s4, s24  }
0x46: {  	s22 =	sshrl.u32 @!p1 s22, $0x3;
	s20 =	ssub.s32 @!p1 s20, s21;
	s21 =	sxor.u32 @!p1 $0xFFFFFFFF, s16  }
0x47: {  	s22 =	sadd.s32 @!p1 s22, s23;
	s23 =	sand.u32 @!p1 $0x7, s13;
	s21 =	sshll.u32 @!p1 s21, $0xE  }
0x48: {  	s23 =	sshll.u32 @!p1 s23, $0x12;
	s20 =	sshll.u32 @!p1 s20, $0x7;
	s21 =	sand.u32 @!p1 $0x4000, s21  }
0x49: {  	s20 =	sadd.s32 @!p1 s20, s22;
	s22 =	sor.u32 @!p1 $0x80, s23;
	s23 =	simm.s32 @!p1 $0x32000  }
0x4a: {  	[tilespmem:s21], [sflag:$0x1] =	stream.strided.gather @!p1 [hbm4b:s20+s22], $0x4000, s23, s22, $0x38;
	[tilespmem:$0x10100] =	vst v63  }
0x4b: {  	p1 =	sge.u32 s31, s6  }
.Ltmp2:
0x4c: {  	_ = 	snop;
	(pc) =	sbr.rel @p1 .LBB1_5-.Ltmp2, $1  }
0x4d: {  	_ =	sdelay $0x3  }
0x4e: {  	s20 =	simm.s32 $0x1  }
0x4f: {  	_ =	swait.ge [sflag:s5], $0x4000;
	s20 =	simm.s32 @!p0 $0x0  }
0x50: {  	[sflag:s5] =	ssyncset.done $0x0;
	s21 =	sshll.u32 s20, $0xE  }
0x51: {  	[sflag:s5] =	ssyncadd.s32 $0xFFFFC000;
	s21 =	sor.u32 $0x40, s21  }
0x52: {  	s20 =	smul.u32 $0x10200, s20;
	v0 =	vld [tilespmem:s21+$0x30]  }
0x53: {  	v1 =	vld [tilespmem:s21+$0xFFFFFFD0]  }
0x54: {  	s20 =	sshrl.u32 s20, $0x2;
	v5 =	vld [tilespmem:s21+$0xFFFFFFE0]  }
0x55: {  	v6 =	vld [tilespmem:s21+$0xFFFFFFF0];
	s23 =	sor.u32 $0x8000, s20  }
0x56: {  	s31 =	sand.u32 $0x1, s16;
	v4 =	vld [tilespmem:s21+$0x0];
	s22 =	sadd.s32 $0x0, s23  }
0x57: {  	v3 =	vld [tilespmem:s21+$0x10];
	s20 =	smul.u32 $0x10200, s31;
	[tilespmem:s22+$0x3870 ss:$0x81] =	vst.msk $0xffff, v0  }
0x58: {  	v2 =	vld [tilespmem:s21+$0x20];
	[tilespmem:s22+$0x810 ss:$0x81] =	vst.msk $0xffff, v1  }
0x59: {  	s20 =	sshrl.u32 s20, $0x2;
	v1 =	vld [tilespmem:s21+$0xFFFFFFC0];
	[tilespmem:s22+$0x1020 ss:$0x81] =	vst.msk $0xffff, v5;
	s21 =	sadd.s32 $0x80, s21  }
0x5a: {  	s24 =	simm.s32 $0x4;
	s25 =	simm.s32 $0x8;
	s20 =	sor.u32 $0x8000, s20;
	[tilespmem:s22+$0x1830 ss:$0x81] =	vst.msk $0xffff, v6;
	v0 =	vld [tilespmem:s21+$0x30]  }
.LBB1_3:
0x5b: {  	p1 =	sne.s32 s25, $0x1FC;
	v5 =	vld [tilespmem:s21+$0xFFFFFFD0];
	[tilespmem:s22+$0x2040 ss:$0x81] =	vst.msk $0xffff, v4  }
0x5c: {  	v6 =	vld [tilespmem:s21+$0xFFFFFFE0];
	[tilespmem:s22+$0x2850 ss:$0x81] =	vst.msk $0xffff, v3  }
0x5d: {  	s26 =	sshra.s32 s24, $0x2;
	s24 =	smov.u32 s25;
	v7 =	vld [tilespmem:s21+$0xFFFFFFF0];
	[tilespmem:s22+$0x3060 ss:$0x81] =	vst.msk $0xffff, v2  }
.Ltmp3:
0x5e: {  	v4 =	vld [tilespmem:s21+$0x0];
	[tilespmem:s22+$0x0 ss:$0x81] =	vst.msk $0xffff, v1;
	s22 =	sadd.s32 s26, s23;
	(pc) =	sbr.rel @p1 .LBB1_3-.Ltmp3, $4  }
0x5f: {  	v3 =	vld [tilespmem:s21+$0x10];
	[tilespmem:s22+$0x3870 ss:$0x81] =	vst.msk $0xffff, v0  }
0x60: {  	[tilespmem:s22+$0x810 ss:$0x81] =	vst.msk $0xffff, v5;
	v2 =	vld [tilespmem:s21+$0x20]  }
0x61: {  	v1 =	vld [tilespmem:s21+$0xFFFFFFC0];
	[tilespmem:s22+$0x1020 ss:$0x81] =	vst.msk $0xffff, v6;
	s21 =	sadd.s32 $0x80, s21  }
0x62: {  	s25 =	sadd.s32 $0x4, s25;
	v0 =	vld [tilespmem:s21+$0x30];
	[tilespmem:s22+$0x1830 ss:$0x81] =	vst.msk $0xffff, v7  }
.Ltmp4:
0x63: {  	_ = 	snop;
	(pc) =	sbr.rel .LBB1_4-.Ltmp4, $1  }
0x64: {  	_ =	sdelay $0x3  }
.LBB1_6:
0x65: {  	_ =	sfence.sel $0x180000  }
0x66: {  	s2 =	simm.s32 $0x1;
	[bflag:$0x0] =	sbarrier.arrive $0xFFFF  }
0x67: {  	s31 =	simm.s32 $0x2;
	[sflag:s2] =	ssyncpa.u1 $0x1  }
0x68: {  	[sflag:s31] =	ssyncpa.u1 $0x1  }
0x69: {  	p0 =	sne.s32 s0, $0x0;
	_ =	strace $0x9000004A  }
0x6a: {  	s0 =	sadd.s32 @!p0 $0x100000, s1;
	[bflag:$0x2] =	sbarrier.arrive $0xFFFF  }
0x6b: {  	[sflag:s0] =	ssyncadd.tile.s32 @!p0 $0x1;
	_ =	shalt  }
.Lfunc_end1:
_tile_overlayer_lowered:
.L_overlay_start_2:
0x6c: {  	(tag) =	ssettag $0x2  }
0x6d: {  	s0 =	rddreg [dreg:$0x0];
	s2 =	stileid.u32  }
0x6e: {  	s1 =	rddreg [dreg:$0x1];
	p0 =	sne.s32 s2, $0x0  }
0x6f: {  	s3 =	rddreg [dreg:$0x2];
	[bflag:$0x3] =	sbarrier.arrive $0xFFFF;
	s2 =	simm.s32 @!p0 $0x1C01  }
0x70: {  	[timem:s3], [sflag:s2] =	dma.local @!p0 [hbm:s0], s1  }
0x71: {  	s0 =	simm.s32 @!p0 $0x1  }
0x72: {  	_ =	swait.ge @!p0 [sflag:s0], s1  }
0x73: {  	s1 =	ssub.s32 @!p0 $0x0, s1;
	[sflag:s0] =	ssyncset.done @!p0 $0x0  }
0x74: {  	[sflag:s0] =	ssyncadd.s32 @!p0 s1  }
0x75: {  	[bflag:$0x3] =	sbarrier.arrive $0xFFFF  }
0x76: {  	_ =	shalt  }

</sc_bundles>
